<compile_context>
chip_gen: v7x
topology: tpu7x:2x2x1
jax: 0.10.2.dev20260603
libtpu: 0.0.44.dev20260713+nightly
codegen_flags: <defaults>
</compile_context>

<pallas_src>
import jax
import jax.numpy as jnp
from jax import lax
from jax.experimental import pallas as pl
from jax.experimental.pallas import tpu as pltpu
from jax.experimental.pallas import tpu_sc as plsc

N = 10000
E = 320000
Q = 40960
D = 128
C = 86

NC = 2
NS = 16
NW = NC * NS

EPT = E // NW
QPT = Q // NW

ROWS_A = 632
ROWS_LAST = N - (NS - 1) * ROWS_A

CH = 128
EP = NW * 80 * CH
EPTP = EP // NW
NCH = EPTP // CH
NPADR = 512
NPAD = N + NPADR
NB = 2
NPH = 2
NCH2 = NCH // NPH
DNB = 8
GNB = 2


def _deg_body(dst2_hbm, ones_hbm, zeros_hbm, out0_hbm, out1_hbm,
              accum, idst_all, vones, ssem):
    cid = lax.axis_index("c")
    sid = lax.axis_index("s")
    wid = sid * NC + cid

    pltpu.sync_copy(ones_hbm, vones)
    pltpu.sync_copy(dst2_hbm.at[pl.ds(wid * NCH, NCH)], idst_all)

    @pl.when(sid == 0)
    def _():
        pltpu.sync_copy(zeros_hbm, accum)

    plsc.subcore_barrier()

    def wave(w, carry):
        j0 = w * DNB
        descs = []
        for b in range(DNB):
            descs.append(pltpu.async_copy(
                vones, accum.at[idst_all.at[j0 + b]], ssem, add=True))
        for d in descs:
            d.wait()
        return carry

    lax.fori_loop(0, NCH // DNB, wave, 0)

    plsc.subcore_barrier()

    @pl.when((sid == 0) & (cid == 0))
    def _():
        pltpu.sync_copy(accum, out0_hbm)

    @pl.when((sid == 0) & (cid == 1))
    def _():
        pltpu.sync_copy(accum, out1_hbm)


def _mesh():
    return plsc.VectorSubcoreMesh(
        core_axis_name="c", subcore_axis_name="s",
        num_cores=NC, num_subcores=NS)


def _deg_call(*args):
    return pl.kernel(
        _deg_body,
        out_type=[jax.ShapeDtypeStruct((NPAD,), jnp.float32),
                  jax.ShapeDtypeStruct((NPAD,), jnp.float32)],
        mesh=_mesh(),
        scratch_types=[
            pltpu.VMEM_SHARED((NPAD,), jnp.float32),
            pltpu.VMEM((NCH, CH), jnp.int32),
            pltpu.VMEM((CH,), jnp.float32),
            pltpu.SemaphoreType.DMA,
        ],
    )(*args)


def _agg_body(g_hbm, srcp_hbm, dstp_hbm, zrows_hbm, out_hbm,
              accum, isrc0, isrc1, idst0, idst1,
              rows0, rows1, gsem0, gsem1):
    cid = lax.axis_index("c")
    sid = lax.axis_index("s")
    wid = sid * NC + cid
    rows = [rows0, rows1]
    isrc = [isrc0, isrc1]
    idst = [idst0, idst1]
    gsems = [gsem0, gsem1]

    @pl.when(sid < NS - 1)
    def _():
        pltpu.sync_copy(zrows_hbm, accum.at[pl.ds(sid * ROWS_A, ROWS_A)])

    @pl.when(sid == NS - 1)
    def _():
        pltpu.sync_copy(zrows_hbm.at[pl.ds(0, ROWS_LAST)],
                        accum.at[pl.ds((NS - 1) * ROWS_A, ROWS_LAST)])

    plsc.subcore_barrier()

    ebase = wid * EPTP

    def wave(w, carry):
        j0 = ebase + w * NB * CH
        gds = []
        for b in range(NB):
            pltpu.sync_copy(srcp_hbm.at[pl.ds(j0 + b * CH, CH)], isrc[b])
            pltpu.sync_copy(dstp_hbm.at[pl.ds(j0 + b * CH, CH)], idst[b])
            gds.append(pltpu.async_copy(g_hbm.at[isrc[b]], rows[b], gsems[b]))
        for b in range(NB):
            gds[b].wait()
            pltpu.sync_copy(rows[b], accum.at[idst[b]], add=True)
        return carry

    lax.fori_loop(0, NCH // NB, wave, 0)

    plsc.subcore_barrier()

    @pl.when(sid < NS - 1)
    def _():
        pltpu.sync_copy(accum.at[pl.ds(sid * ROWS_A, ROWS_A)],
                        out_hbm.at[cid, pl.ds(sid * ROWS_A, ROWS_A)])

    @pl.when(sid == NS - 1)
    def _():
        pltpu.sync_copy(accum.at[pl.ds((NS - 1) * ROWS_A, ROWS_LAST)],
                        out_hbm.at[cid, pl.ds((NS - 1) * ROWS_A, ROWS_LAST)])


def _agg_call(*args):
    return pl.kernel(
        _agg_body,
        out_type=jax.ShapeDtypeStruct((NC, N, D), jnp.float32),
        mesh=_mesh(),
        scratch_types=[
            pltpu.VMEM_SHARED((NPAD, D), jnp.float32),
            pltpu.VMEM((CH,), jnp.int32),
            pltpu.VMEM((CH,), jnp.int32),
            pltpu.VMEM((CH,), jnp.int32),
            pltpu.VMEM((CH,), jnp.int32),
            pltpu.VMEM((CH, D), jnp.float32),
            pltpu.VMEM((CH, D), jnp.float32),
            pltpu.SemaphoreType.DMA,
            pltpu.SemaphoreType.DMA,
        ],
    )(*args)


def _gather2_body(u_hbm, v_hbm, ei0_hbm, ei1_hbm, us_hbm, vd_hbm,
                  i0_all, i1_all, bu0, bu1, bv0, bv1,
                  gsu0, gsu1, gsv0, gsv1, wsem):
    cid = lax.axis_index("c")
    sid = lax.axis_index("s")
    wid = sid * NC + cid
    qbase = wid * QPT
    bu = [bu0, bu1]
    bv = [bv0, bv1]
    gsu = [gsu0, gsu1]
    gsv = [gsv0, gsv1]

    pltpu.sync_copy(ei0_hbm.at[pl.ds(qbase, QPT)], i0_all)
    pltpu.sync_copy(ei1_hbm.at[pl.ds(qbase, QPT)], i1_all)

    def wave(w, carry):
        j0 = w * GNB
        gu, gv = [], []
        for b in range(GNB):
            sl = pl.ds((j0 + b) * CH, CH)
            gu.append(pltpu.async_copy(u_hbm.at[i0_all.at[sl]], bu[b], gsu[b]))
            gv.append(pltpu.async_copy(v_hbm.at[i1_all.at[sl]], bv[b], gsv[b]))
        wds = []
        for b in range(GNB):
            base = qbase + (j0 + b) * CH
            gu[b].wait()
            wds.append(pltpu.async_copy(bu[b], us_hbm.at[pl.ds(base, CH)], wsem))
            gv[b].wait()
            wds.append(pltpu.async_copy(bv[b], vd_hbm.at[pl.ds(base, CH)], wsem))
        for d in wds:
            d.wait()
        return carry

    lax.fori_loop(0, QPT // CH // GNB, wave, 0)


def _gather2_call(*args):
    return pl.kernel(
        _gather2_body,
        out_type=[jax.ShapeDtypeStruct((Q, D), jnp.float32),
                  jax.ShapeDtypeStruct((Q, D), jnp.float32)],
        mesh=_mesh(),
        scratch_types=[
            pltpu.VMEM((QPT,), jnp.int32),
            pltpu.VMEM((QPT,), jnp.int32),
            pltpu.VMEM((CH, D), jnp.float32),
            pltpu.VMEM((CH, D), jnp.float32),
            pltpu.VMEM((CH, D), jnp.float32),
            pltpu.VMEM((CH, D), jnp.float32),
            pltpu.SemaphoreType.DMA,
            pltpu.SemaphoreType.DMA,
            pltpu.SemaphoreType.DMA,
            pltpu.SemaphoreType.DMA,
            pltpu.SemaphoreType.DMA,
        ],
    )(*args)



RB = 2000
RQ = 4096


def _dinv_of(d0, d1):
    return lax.rsqrt(d0 + d1 + 1.0)


def _tc_g1_body(d0_ref, d1_ref, emb_ref, w1_ref, g_ref):
    dinv = _dinv_of(d0_ref[...], d1_ref[...])
    hw = jnp.dot(emb_ref[...], w1_ref[...], preferred_element_type=jnp.float32)
    g_ref[...] = hw * dinv


_tc_g1 = pl.pallas_call(
    _tc_g1_body,
    grid=(N // RB,),
    in_specs=[
        pl.BlockSpec((RB, 1), lambda i: (i, 0)),
        pl.BlockSpec((RB, 1), lambda i: (i, 0)),
        pl.BlockSpec((RB, D), lambda i: (i, 0)),
        pl.BlockSpec((D, D), lambda i: (0, 0)),
    ],
    out_specs=pl.BlockSpec((RB, D), lambda i: (i, 0)),
    out_shape=jax.ShapeDtypeStruct((N, D), jnp.float32),
)


def _tc_layer2_body(d0_ref, d1_ref, aggp_ref, g1_ref, b1_ref, w2_ref, g2_ref):
    dinv = _dinv_of(d0_ref[...], d1_ref[...])
    s = (aggp_ref[0] + aggp_ref[1] + g1_ref[...]) * dinv + b1_ref[...]
    h = jnp.maximum(s, 0.0)
    g2_ref[...] = jnp.dot(
        h, w2_ref[...], preferred_element_type=jnp.float32) * dinv


_tc_layer2 = pl.pallas_call(
    _tc_layer2_body,
    grid=(N // RB,),
    in_specs=[
        pl.BlockSpec((RB, 1), lambda i: (i, 0)),
        pl.BlockSpec((RB, 1), lambda i: (i, 0)),
        pl.BlockSpec((NC, RB, D), lambda i: (0, i, 0)),
        pl.BlockSpec((RB, D), lambda i: (i, 0)),
        pl.BlockSpec((1, D), lambda i: (0, 0)),
        pl.BlockSpec((D, D), lambda i: (0, 0)),
    ],
    out_specs=pl.BlockSpec((RB, D), lambda i: (i, 0)),
    out_shape=jax.ShapeDtypeStruct((N, D), jnp.float32),
)


def _tc_uv_body(d0_ref, d1_ref, aggp_ref, g2_ref, b2_ref, w1a_ref, w1b_ref,
                u_ref, v_ref):
    dinv = _dinv_of(d0_ref[...], d1_ref[...])
    z = (aggp_ref[0] + aggp_ref[1] + g2_ref[...]) * dinv + b2_ref[...]
    u_ref[...] = jnp.dot(z, w1a_ref[...], preferred_element_type=jnp.float32)
    v_ref[...] = jnp.dot(z, w1b_ref[...], preferred_element_type=jnp.float32)


_tc_uv = pl.pallas_call(
    _tc_uv_body,
    grid=(N // RB,),
    in_specs=[
        pl.BlockSpec((RB, 1), lambda i: (i, 0)),
        pl.BlockSpec((RB, 1), lambda i: (i, 0)),
        pl.BlockSpec((NC, RB, D), lambda i: (0, i, 0)),
        pl.BlockSpec((RB, D), lambda i: (i, 0)),
        pl.BlockSpec((1, D), lambda i: (0, 0)),
        pl.BlockSpec((D, D), lambda i: (0, 0)),
        pl.BlockSpec((D, D), lambda i: (0, 0)),
    ],
    out_specs=[
        pl.BlockSpec((RB, D), lambda i: (i, 0)),
        pl.BlockSpec((RB, D), lambda i: (i, 0)),
    ],
    out_shape=[jax.ShapeDtypeStruct((N, D), jnp.float32),
               jax.ShapeDtypeStruct((N, D), jnp.float32)],
)


def _tc_head_body(us_ref, vd_ref, b1_ref, w2_ref, b2_ref, out_ref):
    h = jnp.maximum(us_ref[...] + vd_ref[...] + b1_ref[...], 0.0)
    out_ref[...] = jnp.dot(
        h, w2_ref[...], preferred_element_type=jnp.float32) + b2_ref[...]


_tc_head = pl.pallas_call(
    _tc_head_body,
    grid=(Q // RQ,),
    in_specs=[
        pl.BlockSpec((RQ, D), lambda i: (i, 0)),
        pl.BlockSpec((RQ, D), lambda i: (i, 0)),
        pl.BlockSpec((1, D), lambda i: (0, 0)),
        pl.BlockSpec((D, C), lambda i: (0, 0)),
        pl.BlockSpec((1, C), lambda i: (0, 0)),
    ],
    out_specs=pl.BlockSpec((RQ, C), lambda i: (i, 0)),
    out_shape=jax.ShapeDtypeStruct((Q, C), jnp.float32),
)



def kernel(x, edge_index, edge_label_index, emb, W1, b1, W2, b2,
           dec_W1, dec_b1, dec_W2, dec_b2):
    src = edge_index[0].astype(jnp.int32)
    dst = edge_index[1].astype(jnp.int32)
    ei0 = edge_label_index[0].astype(jnp.int32)
    ei1 = edge_label_index[1].astype(jnp.int32)

    emb = emb.astype(jnp.float32)
    zrows = jnp.zeros((ROWS_A, D), jnp.float32)

    pad = EP - E
    ppt = pad // NW
    pad_src = jnp.arange(pad, dtype=jnp.int32) % N
    pad_dst = N + (jnp.arange(pad, dtype=jnp.int32) % NPADR)
    srcp = jnp.concatenate(
        [src.reshape(NW, EPT), pad_src.reshape(NW, ppt)], axis=1).reshape(EP)
    dstp = jnp.concatenate(
        [dst.reshape(NW, EPT), pad_dst.reshape(NW, ppt)], axis=1).reshape(EP)
    dst2 = dstp.reshape(EP // CH, CH)

    ones1 = jnp.ones((CH,), jnp.float32)
    zeros1 = jnp.zeros((NPAD,), jnp.float32)
    deg0, deg1 = _deg_call(dst2, ones1, zeros1)
    d0 = deg0[:N].reshape(N, 1)
    d1 = deg1[:N].reshape(N, 1)

    g1 = _tc_g1(d0, d1, emb, W1)
    agg1 = _agg_call(g1, srcp, dstp, zrows)
    g2 = _tc_layer2(d0, d1, agg1, g1, b1.reshape(1, D), W2)
    agg2 = _agg_call(g2, srcp, dstp, zrows)
    U, V = _tc_uv(d0, d1, agg2, g2, b2.reshape(1, D),
                  dec_W1[:D], dec_W1[D:])
    Us, Vd = _gather2_call(U, V, ei0, ei1)
    logits = _tc_head(Us, Vd, dec_b1.reshape(1, D), dec_W2,
                      dec_b2.reshape(1, C))
    return logits

# --- scband reference (transcript-rebuilt; emitter-appended) ---
"""Pipeline reference for scband-ddigraph-model-7756710937203 (READ-ONLY COPY).

The authoritative reference and input builder live on the scoring server;
editing this copy changes nothing except your own understanding.
"""

import jax, jax.numpy as jnp
import numpy as np

NUM_NODES = 10000
NUM_EDGES = 320000
NUM_QUERY = 40960
EMBED_DIM = 128
HIDDEN_DIM = 128
NUM_CLASSES = 86


def gcn_conv(h, edge_index, W, b, num_nodes):
    # PyG-style GCNConv: linear transform, add self-loops, sym-normalized scatter-add
    h = h @ W
    src = edge_index[0]
    dst = edge_index[1]
    loop = jnp.arange(num_nodes)
    src = jnp.concatenate([src, loop])
    dst = jnp.concatenate([dst, loop])
    deg = jnp.zeros((num_nodes,), dtype=h.dtype).at[dst].add(1.0)
    dinv = jnp.where(deg > 0, 1.0 / jnp.sqrt(deg), 0.0)
    norm = dinv[src] * dinv[dst]
    msg = h[src] * norm[:, None]
    out = jnp.zeros_like(h).at[dst].add(msg)
    return out + b


def setup_inputs(seed: int = 0):
    key = jax.random.key(seed)
    ks = jax.random.split(key, 12)
    x = jnp.arange(NUM_NODES)
    edge_index = jax.random.randint(ks[0], (2, NUM_EDGES), 0, NUM_NODES)
    edge_label_index = jax.random.randint(ks[1], (2, NUM_QUERY), 0, NUM_NODES)
    emb = jax.random.normal(ks[2], (NUM_NODES, EMBED_DIM), dtype=jnp.float32) * 0.05
    W1 = jax.random.normal(ks[3], (EMBED_DIM, HIDDEN_DIM), dtype=jnp.float32) * 0.05
    b1 = jnp.zeros((HIDDEN_DIM,), dtype=jnp.float32)
    W2 = jax.random.normal(ks[4], (HIDDEN_DIM, HIDDEN_DIM), dtype=jnp.float32) * 0.05
    b2 = jnp.zeros((HIDDEN_DIM,), dtype=jnp.float32)
    dec_W1 = jax.random.normal(ks[5], (2 * HIDDEN_DIM, HIDDEN_DIM), dtype=jnp.float32) * 0.05
    dec_b1 = jnp.zeros((HIDDEN_DIM,), dtype=jnp.float32)
    dec_W2 = jax.random.normal(ks[6], (HIDDEN_DIM, NUM_CLASSES), dtype=jnp.float32) * 0.05
    dec_b2 = jnp.zeros((NUM_CLASSES,), dtype=jnp.float32)
    return {"x": x, "edge_index": edge_index, "edge_label_index": edge_label_index,
            "emb": emb, "W1": W1, "b1": b1, "W2": W2, "b2": b2,
            "dec_W1": dec_W1, "dec_b1": dec_b1, "dec_W2": dec_W2, "dec_b2": dec_b2}


def reference(x, edge_index, edge_label_index, emb, W1, b1, W2, b2, dec_W1, dec_b1, dec_W2, dec_b2):
    # encode (eval mode: dropout = identity)
    h = emb[x]
    h = gcn_conv(h, edge_index, W1, b1, NUM_NODES)
    h = jax.nn.relu(h)
    z = gcn_conv(h, edge_index, W2, b2, NUM_NODES)
    # decode
    z_src = z[edge_label_index[0]]
    z_dst = z[edge_label_index[1]]
    edge_feat = jnp.concatenate([z_src, z_dst], axis=-1)
    hidden = jax.nn.relu(edge_feat @ dec_W1 + dec_b1)
    logits = hidden @ dec_W2 + dec_b2
    return logits

if __name__ == "__main__":
    import jax
    _d = setup_inputs()
    print(jax.jit(kernel)(*tuple(_d.values())))

</pallas_src>

<mosaic_0001>
#map = affine_map<(d0, d1) -> (0, 0)>
#map1 = affine_map<(d0, d1) -> (0)>
#map2 = affine_map<(d0, d1) -> (0, 0, 0)>
module attributes {stable_mosaic.version = 14 : i64} {
  func.func @_agg_body(%arg0: i32, %arg1: i32, %arg2: memref<10000x128xf32, #tpu.memory_space<hbm>>, %arg3: memref<327680xi32, #tpu.memory_space<hbm>>, %arg4: memref<327680xi32, #tpu.memory_space<hbm>>, %arg5: memref<632x128xf32, #tpu.memory_space<hbm>>, %arg6: memref<2x10000x128xf32, #tpu.memory_space<hbm>>, %arg7: memref<10512x128xf32, #tpu.memory_space<vmem_shared>>, %arg8: memref<128xi32, #tpu.memory_space<vmem>>, %arg9: memref<128xi32, #tpu.memory_space<vmem>>, %arg10: memref<128xi32, #tpu.memory_space<vmem>>, %arg11: memref<128xi32, #tpu.memory_space<vmem>>, %arg12: memref<128x128xf32, #tpu.memory_space<vmem>>, %arg13: memref<128x128xf32, #tpu.memory_space<vmem>>, %arg14: memref<!tpu.dma_semaphore, #tpu.memory_space<semaphore_mem>>, %arg15: memref<!tpu.dma_semaphore, #tpu.memory_space<semaphore_mem>>) attributes {dimension_semantics = [#tpu.dimension_semantics<core_parallel>, #tpu.dimension_semantics<subcore_parallel>], iteration_bounds = array<i64: 2, 16>, scalar_prefetch = 0 : i64, scratch_operands = 9 : i64, tpu.core_type = #tpu.core_type<sc_vector_subcore>, window_params = [{transform_indices = #map}, {transform_indices = #map1}, {transform_indices = #map1}, {transform_indices = #map}, {transform_indices = #map2}]} {
    %mul3A = arith.constant 2 : i32
    %mul3A_0 = arith.muli %arg1, %mul3A : i32
    %add3A = arith.addi %mul3A_0, %arg0 : i32
    %lt3A = arith.constant 15 : i32
    %lt3A_1 = arith.cmpi slt, %arg1, %lt3A : i32
    %convert_element_type3A = arith.extui %lt3A_1 : i1 to i32
    %cond3A = arith.constant 0 : i32
    %cond3A_2 = arith.cmpi ne, %convert_element_type3A, %cond3A : i32
    scf.if %cond3A_2 {
      %mul3A_25 = arith.constant 632 : i32
      %mul3A_26 = arith.muli %arg1, %mul3A_25 : i32
      "tpu.region"() ({
        %run_scoped3A = tpu.sem_alloc : memref<!tpu.dma_semaphore, #tpu.memory_space<semaphore_mem>>
        %dma_start3A = arith.constant 0 : i32
        %dma_start3A_27 = tpu.memref_slice %arg7[%mul3A_26, %dma_start3A] : memref<10512x128xf32, #tpu.memory_space<vmem_shared>> -> memref<632x128xf32, #tpu.memory_space<vmem_shared>>
        tpu.enqueue_dma source(%arg5 : memref<632x128xf32, #tpu.memory_space<hbm>>) target(%dma_start3A_27 : memref<632x128xf32, #tpu.memory_space<vmem_shared>>) target_semaphore(%run_scoped3A : memref<!tpu.dma_semaphore, #tpu.memory_space<semaphore_mem>>)
        %dma_wait3A = arith.constant 0 : i32
        %dma_wait3A_28 = tpu.memref_slice %arg7[%mul3A_26, %dma_wait3A] : memref<10512x128xf32, #tpu.memory_space<vmem_shared>> -> memref<632x128xf32, #tpu.memory_space<vmem_shared>>
        tpu.wait_dma2 semaphore(%run_scoped3A : memref<!tpu.dma_semaphore, #tpu.memory_space<semaphore_mem>>) src(%arg5 : memref<632x128xf32, #tpu.memory_space<hbm>>) dst(%dma_wait3A_28 : memref<632x128xf32, #tpu.memory_space<vmem_shared>>)
        tpu.yield
      }) : () -> ()
    } else {
    }
    %eq3A = arith.constant 15 : i32
    %eq3A_3 = arith.cmpi eq, %arg1, %eq3A : i32
    %convert_element_type3A_4 = arith.extui %eq3A_3 : i1 to i32
    %cond3A_5 = arith.constant 0 : i32
    %cond3A_6 = arith.cmpi ne, %convert_element_type3A_4, %cond3A_5 : i32
    scf.if %cond3A_6 {
      "tpu.region"() ({
        %run_scoped3A = tpu.sem_alloc : memref<!tpu.dma_semaphore, #tpu.memory_space<semaphore_mem>>
        %dma_start3A = arith.constant 9480 : i32
        %dma_start3A_25 = arith.constant 0 : i32
        %dma_start3A_26 = tpu.memref_slice %arg7[%dma_start3A, %dma_start3A_25] : memref<10512x128xf32, #tpu.memory_space<vmem_shared>> -> memref<520x128xf32, #tpu.memory_space<vmem_shared>>
        %dma_start3A_27 = arith.constant 0 : i32
        %dma_start3A_28 = arith.constant 0 : i32
        %dma_start3A_29 = tpu.memref_slice %arg5[%dma_start3A_27, %dma_start3A_28] : memref<632x128xf32, #tpu.memory_space<hbm>> -> memref<520x128xf32, #tpu.memory_space<hbm>>
        tpu.enqueue_dma source(%dma_start3A_29 : memref<520x128xf32, #tpu.memory_space<hbm>>) target(%dma_start3A_26 : memref<520x128xf32, #tpu.memory_space<vmem_shared>>) target_semaphore(%run_scoped3A : memref<!tpu.dma_semaphore, #tpu.memory_space<semaphore_mem>>)
        %dma_wait3A = arith.constant 9480 : i32
        %dma_wait3A_30 = arith.constant 0 : i32
        %dma_wait3A_31 = tpu.memref_slice %arg7[%dma_wait3A, %dma_wait3A_30] : memref<10512x128xf32, #tpu.memory_space<vmem_shared>> -> memref<520x128xf32, #tpu.memory_space<vmem_shared>>
        %dma_wait3A_32 = arith.constant 0 : i32
        %dma_wait3A_33 = arith.constant 0 : i32
        %dma_wait3A_34 = tpu.memref_slice %arg5[%dma_wait3A_32, %dma_wait3A_33] : memref<632x128xf32, #tpu.memory_space<hbm>> -> memref<520x128xf32, #tpu.memory_space<hbm>>
        tpu.wait_dma2 semaphore(%run_scoped3A : memref<!tpu.dma_semaphore, #tpu.memory_space<semaphore_mem>>) src(%dma_wait3A_34 : memref<520x128xf32, #tpu.memory_space<hbm>>) dst(%dma_wait3A_31 : memref<520x128xf32, #tpu.memory_space<vmem_shared>>)
        tpu.yield
      }) : () -> ()
    } else {
    }
    %barrier3A = arith.constant 0 : index
    tpu.barrier barrier_id(%barrier3A)
    %mul3A_7 = arith.constant 10240 : i32
    %mul3A_8 = arith.muli %add3A, %mul3A_7 : i32
    %scan3A = arith.constant 0 : i32
    %scan3A_9 = arith.constant 0 : i32
    %scan3A_10 = arith.constant 40 : i32
    %scan3A_11 = arith.addi %scan3A_9, %scan3A_10 : i32
    %scan3A_12 = arith.constant 1 : i32
    scf.for %scan3A_25 = %scan3A_9 to %scan3A_11 step %scan3A_12  : i32 {
      %mul3A_26 = arith.constant 2 : i32
      %mul3A_27 = arith.muli %scan3A_25, %mul3A_26 : i32
      %mul3A_28 = arith.constant 128 : i32
      %mul3A_29 = arith.muli %mul3A_27, %mul3A_28 : i32
      %add3A_30 = arith.addi %mul3A_8, %mul3A_29 : i32
      %add3A_31 = arith.constant 0 : i32
      %add3A_32 = arith.addi %add3A_30, %add3A_31 : i32
      "tpu.region"() ({
        %run_scoped3A = tpu.sem_alloc : memref<!tpu.dma_semaphore, #tpu.memory_space<semaphore_mem>>
        %dma_start3A_49 = tpu.memref_slice %arg3[%add3A_32] : memref<327680xi32, #tpu.memory_space<hbm>> -> memref<128xi32, #tpu.memory_space<hbm>>
        %dma_start3A_50 = tpu.memref_slice %arg3[%add3A_32] : memref<327680xi32, #tpu.memory_space<hbm>> -> memref<128xi32, #tpu.memory_space<hbm>>
        tpu.enqueue_dma source(%dma_start3A_50 : memref<128xi32, #tpu.memory_space<hbm>>) target(%arg8 : memref<128xi32, #tpu.memory_space<vmem>>) target_semaphore(%run_scoped3A : memref<!tpu.dma_semaphore, #tpu.memory_space<semaphore_mem>>)
        %dma_wait3A_51 = tpu.memref_slice %arg3[%add3A_32] : memref<327680xi32, #tpu.memory_space<hbm>> -> memref<128xi32, #tpu.memory_space<hbm>>
        %dma_wait3A_52 = tpu.memref_slice %arg3[%add3A_32] : memref<327680xi32, #tpu.memory_space<hbm>> -> memref<128xi32, #tpu.memory_space<hbm>>
        tpu.wait_dma2 semaphore(%run_scoped3A : memref<!tpu.dma_semaphore, #tpu.memory_space<semaphore_mem>>) src(%dma_wait3A_52 : memref<128xi32, #tpu.memory_space<hbm>>) dst(%arg8 : memref<128xi32, #tpu.memory_space<vmem>>)
        tpu.yield
      }) : () -> ()
      %add3A_33 = arith.constant 0 : i32
      %add3A_34 = arith.addi %add3A_30, %add3A_33 : i32
      "tpu.region"() ({
        %run_scoped3A = tpu.sem_alloc : memref<!tpu.dma_semaphore, #tpu.memory_space<semaphore_mem>>
        %dma_start3A_49 = tpu.memref_slice %arg4[%add3A_34] : memref<327680xi32, #tpu.memory_space<hbm>> -> memref<128xi32, #tpu.memory_space<hbm>>
        %dma_start3A_50 = tpu.memref_slice %arg4[%add3A_34] : memref<327680xi32, #tpu.memory_space<hbm>> -> memref<128xi32, #tpu.memory_space<hbm>>
        tpu.enqueue_dma source(%dma_start3A_50 : memref<128xi32, #tpu.memory_space<hbm>>) target(%arg10 : memref<128xi32, #tpu.memory_space<vmem>>) target_semaphore(%run_scoped3A : memref<!tpu.dma_semaphore, #tpu.memory_space<semaphore_mem>>)
        %dma_wait3A_51 = tpu.memref_slice %arg4[%add3A_34] : memref<327680xi32, #tpu.memory_space<hbm>> -> memref<128xi32, #tpu.memory_space<hbm>>
        %dma_wait3A_52 = tpu.memref_slice %arg4[%add3A_34] : memref<327680xi32, #tpu.memory_space<hbm>> -> memref<128xi32, #tpu.memory_space<hbm>>
        tpu.wait_dma2 semaphore(%run_scoped3A : memref<!tpu.dma_semaphore, #tpu.memory_space<semaphore_mem>>) src(%dma_wait3A_52 : memref<128xi32, #tpu.memory_space<hbm>>) dst(%arg10 : memref<128xi32, #tpu.memory_space<vmem>>)
        tpu.yield
      }) : () -> ()
      %dma_start3A = arith.constant 0 : i32
      %dma_start3A_35 = arith.constant 0 : i32
      %dma_start3A_36 = tpu.memref_slice %arg2[%dma_start3A, %dma_start3A_35] : memref<10000x128xf32, #tpu.memory_space<hbm>> -> memref<10000x128xf32, #tpu.memory_space<hbm>>
      tpu.enqueue_indirect_dma source(%dma_start3A_36 : memref<10000x128xf32, #tpu.memory_space<hbm>>) target(%arg12 : memref<128x128xf32, #tpu.memory_space<vmem>>) offsets(%arg8 : memref<128xi32, #tpu.memory_space<vmem>>) semaphore(%arg14 : memref<!tpu.dma_semaphore, #tpu.memory_space<semaphore_mem>>)
      %add3A_37 = arith.constant 128 : i32
      %add3A_38 = arith.addi %add3A_30, %add3A_37 : i32
      "tpu.region"() ({
        %run_scoped3A = tpu.sem_alloc : memref<!tpu.dma_semaphore, #tpu.memory_space<semaphore_mem>>
        %dma_start3A_49 = tpu.memref_slice %arg3[%add3A_38] : memref<327680xi32, #tpu.memory_space<hbm>> -> memref<128xi32, #tpu.memory_space<hbm>>
        %dma_start3A_50 = tpu.memref_slice %arg3[%add3A_38] : memref<327680xi32, #tpu.memory_space<hbm>> -> memref<128xi32, #tpu.memory_space<hbm>>
        tpu.enqueue_dma source(%dma_start3A_50 : memref<128xi32, #tpu.memory_space<hbm>>) target(%arg9 : memref<128xi32, #tpu.memory_space<vmem>>) target_semaphore(%run_scoped3A : memref<!tpu.dma_semaphore, #tpu.memory_space<semaphore_mem>>)
        %dma_wait3A_51 = tpu.memref_slice %arg3[%add3A_38] : memref<327680xi32, #tpu.memory_space<hbm>> -> memref<128xi32, #tpu.memory_space<hbm>>
        %dma_wait3A_52 = tpu.memref_slice %arg3[%add3A_38] : memref<327680xi32, #tpu.memory_space<hbm>> -> memref<128xi32, #tpu.memory_space<hbm>>
        tpu.wait_dma2 semaphore(%run_scoped3A : memref<!tpu.dma_semaphore, #tpu.memory_space<semaphore_mem>>) src(%dma_wait3A_52 : memref<128xi32, #tpu.memory_space<hbm>>) dst(%arg9 : memref<128xi32, #tpu.memory_space<vmem>>)
        tpu.yield
      }) : () -> ()
      %add3A_39 = arith.constant 128 : i32
      %add3A_40 = arith.addi %add3A_30, %add3A_39 : i32
      "tpu.region"() ({
        %run_scoped3A = tpu.sem_alloc : memref<!tpu.dma_semaphore, #tpu.memory_space<semaphore_mem>>
        %dma_start3A_49 = tpu.memref_slice %arg4[%add3A_40] : memref<327680xi32, #tpu.memory_space<hbm>> -> memref<128xi32, #tpu.memory_space<hbm>>
        %dma_start3A_50 = tpu.memref_slice %arg4[%add3A_40] : memref<327680xi32, #tpu.memory_space<hbm>> -> memref<128xi32, #tpu.memory_space<hbm>>
        tpu.enqueue_dma source(%dma_start3A_50 : memref<128xi32, #tpu.memory_space<hbm>>) target(%arg11 : memref<128xi32, #tpu.memory_space<vmem>>) target_semaphore(%run_scoped3A : memref<!tpu.dma_semaphore, #tpu.memory_space<semaphore_mem>>)
        %dma_wait3A_51 = tpu.memref_slice %arg4[%add3A_40] : memref<327680xi32, #tpu.memory_space<hbm>> -> memref<128xi32, #tpu.memory_space<hbm>>
        %dma_wait3A_52 = tpu.memref_slice %arg4[%add3A_40] : memref<327680xi32, #tpu.memory_space<hbm>> -> memref<128xi32, #tpu.memory_space<hbm>>
        tpu.wait_dma2 semaphore(%run_scoped3A : memref<!tpu.dma_semaphore, #tpu.memory_space<semaphore_mem>>) src(%dma_wait3A_52 : memref<128xi32, #tpu.memory_space<hbm>>) dst(%arg11 : memref<128xi32, #tpu.memory_space<vmem>>)
        tpu.yield
      }) : () -> ()
      %dma_start3A_41 = arith.constant 0 : i32
      %dma_start3A_42 = arith.constant 0 : i32
      %dma_start3A_43 = tpu.memref_slice %arg2[%dma_start3A_41, %dma_start3A_42] : memref<10000x128xf32, #tpu.memory_space<hbm>> -> memref<10000x128xf32, #tpu.memory_space<hbm>>
      tpu.enqueue_indirect_dma source(%dma_start3A_43 : memref<10000x128xf32, #tpu.memory_space<hbm>>) target(%arg13 : memref<128x128xf32, #tpu.memory_space<vmem>>) offsets(%arg9 : memref<128xi32, #tpu.memory_space<vmem>>) semaphore(%arg15 : memref<!tpu.dma_semaphore, #tpu.memory_space<semaphore_mem>>)
      %dma_wait3A = arith.constant 0 : i32
      %dma_wait3A_44 = arith.constant 0 : i32
      %dma_wait3A_45 = tpu.memref_slice %arg2[%dma_wait3A, %dma_wait3A_44] : memref<10000x128xf32, #tpu.memory_space<hbm>> -> memref<10000x128xf32, #tpu.memory_space<hbm>>
      tpu.wait_indirect_dma semaphore(%arg14 : memref<!tpu.dma_semaphore, #tpu.memory_space<semaphore_mem>>) src(%dma_wait3A_45 : memref<10000x128xf32, #tpu.memory_space<hbm>>) dst(%arg12 : memref<128x128xf32, #tpu.memory_space<vmem>>)
      "tpu.region"() ({
        %run_scoped3A = tpu.sem_alloc : memref<!tpu.dma_semaphore, #tpu.memory_space<semaphore_mem>>
        %dma_start3A_49 = arith.constant 0 : i32
        %dma_start3A_50 = arith.constant 0 : i32
        %dma_start3A_51 = tpu.memref_slice %arg7[%dma_start3A_49, %dma_start3A_50] : memref<10512x128xf32, #tpu.memory_space<vmem_shared>> -> memref<10512x128xf32, #tpu.memory_space<vmem_shared>>
        tpu.enqueue_indirect_dma source(%arg12 : memref<128x128xf32, #tpu.memory_space<vmem>>) target(%dma_start3A_51 : memref<10512x128xf32, #tpu.memory_space<vmem_shared>>) offsets(%arg10 : memref<128xi32, #tpu.memory_space<vmem>>) semaphore(%run_scoped3A : memref<!tpu.dma_semaphore, #tpu.memory_space<semaphore_mem>>) {add = true}
        %dma_wait3A_52 = arith.constant 0 : i32
        %dma_wait3A_53 = arith.constant 0 : i32
        %dma_wait3A_54 = tpu.memref_slice %arg7[%dma_wait3A_52, %dma_wait3A_53] : memref<10512x128xf32, #tpu.memory_space<vmem_shared>> -> memref<10512x128xf32, #tpu.memory_space<vmem_shared>>
        tpu.wait_indirect_dma semaphore(%run_scoped3A : memref<!tpu.dma_semaphore, #tpu.memory_space<semaphore_mem>>) src(%arg12 : memref<128x128xf32, #tpu.memory_space<vmem>>) dst(%dma_wait3A_54 : memref<10512x128xf32, #tpu.memory_space<vmem_shared>>)
        tpu.yield
      }) : () -> ()
      %dma_wait3A_46 = arith.constant 0 : i32
      %dma_wait3A_47 = arith.constant 0 : i32
      %dma_wait3A_48 = tpu.memref_slice %arg2[%dma_wait3A_46, %dma_wait3A_47] : memref<10000x128xf32, #tpu.memory_space<hbm>> -> memref<10000x128xf32, #tpu.memory_space<hbm>>
      tpu.wait_indirect_dma semaphore(%arg15 : memref<!tpu.dma_semaphore, #tpu.memory_space<semaphore_mem>>) src(%dma_wait3A_48 : memref<10000x128xf32, #tpu.memory_space<hbm>>) dst(%arg13 : memref<128x128xf32, #tpu.memory_space<vmem>>)
      "tpu.region"() ({
        %run_scoped3A = tpu.sem_alloc : memref<!tpu.dma_semaphore, #tpu.memory_space<semaphore_mem>>
        %dma_start3A_49 = arith.constant 0 : i32
        %dma_start3A_50 = arith.constant 0 : i32
        %dma_start3A_51 = tpu.memref_slice %arg7[%dma_start3A_49, %dma_start3A_50] : memref<10512x128xf32, #tpu.memory_space<vmem_shared>> -> memref<10512x128xf32, #tpu.memory_space<vmem_shared>>
        tpu.enqueue_indirect_dma source(%arg13 : memref<128x128xf32, #tpu.memory_space<vmem>>) target(%dma_start3A_51 : memref<10512x128xf32, #tpu.memory_space<vmem_shared>>) offsets(%arg11 : memref<128xi32, #tpu.memory_space<vmem>>) semaphore(%run_scoped3A : memref<!tpu.dma_semaphore, #tpu.memory_space<semaphore_mem>>) {add = true}
        %dma_wait3A_52 = arith.constant 0 : i32
        %dma_wait3A_53 = arith.constant 0 : i32
        %dma_wait3A_54 = tpu.memref_slice %arg7[%dma_wait3A_52, %dma_wait3A_53] : memref<10512x128xf32, #tpu.memory_space<vmem_shared>> -> memref<10512x128xf32, #tpu.memory_space<vmem_shared>>
        tpu.wait_indirect_dma semaphore(%run_scoped3A : memref<!tpu.dma_semaphore, #tpu.memory_space<semaphore_mem>>) src(%arg13 : memref<128x128xf32, #tpu.memory_space<vmem>>) dst(%dma_wait3A_54 : memref<10512x128xf32, #tpu.memory_space<vmem_shared>>)
        tpu.yield
      }) : () -> ()
    }
    %scan3A_13 = arith.constant 40 : i32
    %barrier3A_14 = arith.constant 0 : index
    tpu.barrier barrier_id(%barrier3A_14)
    %lt3A_15 = arith.constant 15 : i32
    %lt3A_16 = arith.cmpi slt, %arg1, %lt3A_15 : i32
    %convert_element_type3A_17 = arith.extui %lt3A_16 : i1 to i32
    %cond3A_18 = arith.constant 0 : i32
    %cond3A_19 = arith.cmpi ne, %convert_element_type3A_17, %cond3A_18 : i32
    scf.if %cond3A_19 {
      %mul3A_25 = arith.constant 632 : i32
      %mul3A_26 = arith.muli %arg1, %mul3A_25 : i32
      %mul3A_27 = arith.constant 632 : i32
      %mul3A_28 = arith.muli %arg1, %mul3A_27 : i32
      "tpu.region"() ({
        %run_scoped3A = tpu.sem_alloc : memref<!tpu.dma_semaphore, #tpu.memory_space<semaphore_mem>>
        %dma_start3A = arith.constant 0 : i32
        %dma_start3A_29 = tpu.memref_slice %arg6[%arg0, %mul3A_28, %dma_start3A] : memref<2x10000x128xf32, #tpu.memory_space<hbm>> -> memref<1x632x128xf32, #tpu.memory_space<hbm>>
        %dma_start3A_30 = tpu.memref_squeeze %dma_start3A_29 : memref<1x632x128xf32, #tpu.memory_space<hbm>> -> memref<632x128xf32, #tpu.memory_space<hbm>>
        %dma_start3A_31 = arith.constant 0 : i32
        %dma_start3A_32 = tpu.memref_slice %arg7[%mul3A_26, %dma_start3A_31] : memref<10512x128xf32, #tpu.memory_space<vmem_shared>> -> memref<632x128xf32, #tpu.memory_space<vmem_shared>>
        tpu.enqueue_dma source(%dma_start3A_32 : memref<632x128xf32, #tpu.memory_space<vmem_shared>>) target(%dma_start3A_30 : memref<632x128xf32, #tpu.memory_space<hbm>>) target_semaphore(%run_scoped3A : memref<!tpu.dma_semaphore, #tpu.memory_space<semaphore_mem>>)
        %dma_wait3A = arith.constant 0 : i32
        %dma_wait3A_33 = tpu.memref_slice %arg6[%arg0, %mul3A_28, %dma_wait3A] : memref<2x10000x128xf32, #tpu.memory_space<hbm>> -> memref<1x632x128xf32, #tpu.memory_space<hbm>>
        %dma_wait3A_34 = tpu.memref_squeeze %dma_wait3A_33 : memref<1x632x128xf32, #tpu.memory_space<hbm>> -> memref<632x128xf32, #tpu.memory_space<hbm>>
        %dma_wait3A_35 = arith.constant 0 : i32
        %dma_wait3A_36 = tpu.memref_slice %arg7[%mul3A_26, %dma_wait3A_35] : memref<10512x128xf32, #tpu.memory_space<vmem_shared>> -> memref<632x128xf32, #tpu.memory_space<vmem_shared>>
        tpu.wait_dma2 semaphore(%run_scoped3A : memref<!tpu.dma_semaphore, #tpu.memory_space<semaphore_mem>>) src(%dma_wait3A_36 : memref<632x128xf32, #tpu.memory_space<vmem_shared>>) dst(%dma_wait3A_34 : memref<632x128xf32, #tpu.memory_space<hbm>>)
        tpu.yield
      }) : () -> ()
    } else {
    }
    %eq3A_20 = arith.constant 15 : i32
    %eq3A_21 = arith.cmpi eq, %arg1, %eq3A_20 : i32
    %convert_element_type3A_22 = arith.extui %eq3A_21 : i1 to i32
    %cond3A_23 = arith.constant 0 : i32
    %cond3A_24 = arith.cmpi ne, %convert_element_type3A_22, %cond3A_23 : i32
    scf.if %cond3A_24 {
      "tpu.region"() ({
        %run_scoped3A = tpu.sem_alloc : memref<!tpu.dma_semaphore, #tpu.memory_space<semaphore_mem>>
        %dma_start3A = arith.constant 9480 : i32
        %dma_start3A_25 = arith.constant 0 : i32
        %dma_start3A_26 = tpu.memref_slice %arg6[%arg0, %dma_start3A, %dma_start3A_25] : memref<2x10000x128xf32, #tpu.memory_space<hbm>> -> memref<1x520x128xf32, #tpu.memory_space<hbm>>
        %dma_start3A_27 = tpu.memref_squeeze %dma_start3A_26 : memref<1x520x128xf32, #tpu.memory_space<hbm>> -> memref<520x128xf32, #tpu.memory_space<hbm>>
        %dma_start3A_28 = arith.constant 9480 : i32
        %dma_start3A_29 = arith.constant 0 : i32
        %dma_start3A_30 = tpu.memref_slice %arg7[%dma_start3A_28, %dma_start3A_29] : memref<10512x128xf32, #tpu.memory_space<vmem_shared>> -> memref<520x128xf32, #tpu.memory_space<vmem_shared>>
        tpu.enqueue_dma source(%dma_start3A_30 : memref<520x128xf32, #tpu.memory_space<vmem_shared>>) target(%dma_start3A_27 : memref<520x128xf32, #tpu.memory_space<hbm>>) target_semaphore(%run_scoped3A : memref<!tpu.dma_semaphore, #tpu.memory_space<semaphore_mem>>)
        %dma_wait3A = arith.constant 9480 : i32
        %dma_wait3A_31 = arith.constant 0 : i32
        %dma_wait3A_32 = tpu.memref_slice %arg6[%arg0, %dma_wait3A, %dma_wait3A_31] : memref<2x10000x128xf32, #tpu.memory_space<hbm>> -> memref<1x520x128xf32, #tpu.memory_space<hbm>>
        %dma_wait3A_33 = tpu.memref_squeeze %dma_wait3A_32 : memref<1x520x128xf32, #tpu.memory_space<hbm>> -> memref<520x128xf32, #tpu.memory_space<hbm>>
        %dma_wait3A_34 = arith.constant 9480 : i32
        %dma_wait3A_35 = arith.constant 0 : i32
        %dma_wait3A_36 = tpu.memref_slice %arg7[%dma_wait3A_34, %dma_wait3A_35] : memref<10512x128xf32, #tpu.memory_space<vmem_shared>> -> memref<520x128xf32, #tpu.memory_space<vmem_shared>>
        tpu.wait_dma2 semaphore(%run_scoped3A : memref<!tpu.dma_semaphore, #tpu.memory_space<semaphore_mem>>) src(%dma_wait3A_36 : memref<520x128xf32, #tpu.memory_space<vmem_shared>>) dst(%dma_wait3A_33 : memref<520x128xf32, #tpu.memory_space<hbm>>)
        tpu.yield
      }) : () -> ()
    } else {
    }
    return
  }
}

#map = affine_map<(d0, d1) -> (0, 0)>
#map1 = affine_map<(d0, d1) -> (0)>
module attributes {stable_mosaic.version = 14 : i64} {
  func.func @_deg_body(%arg0: i32, %arg1: i32, %arg2: memref<2560x128xi32, #tpu.memory_space<hbm>>, %arg3: memref<128xf32, #tpu.memory_space<hbm>>, %arg4: memref<10512xf32, #tpu.memory_space<hbm>>, %arg5: memref<10512xf32, #tpu.memory_space<hbm>>, %arg6: memref<10512xf32, #tpu.memory_space<hbm>>, %arg7: memref<10512xf32, #tpu.memory_space<vmem_shared>>, %arg8: memref<80x128xi32, #tpu.memory_space<vmem>>, %arg9: memref<128xf32, #tpu.memory_space<vmem>>, %arg10: memref<!tpu.dma_semaphore, #tpu.memory_space<semaphore_mem>>) attributes {dimension_semantics = [#tpu.dimension_semantics<core_parallel>, #tpu.dimension_semantics<subcore_parallel>], iteration_bounds = array<i64: 2, 16>, scalar_prefetch = 0 : i64, scratch_operands = 4 : i64, tpu.core_type = #tpu.core_type<sc_vector_subcore>, window_params = [{transform_indices = #map}, {transform_indices = #map1}, {transform_indices = #map1}, {transform_indices = #map1}, {transform_indices = #map1}]} {
    %mul3A = arith.constant 2 : i32
    %mul3A_0 = arith.muli %arg1, %mul3A : i32
    %add3A = arith.addi %mul3A_0, %arg0 : i32
    "tpu.region"() ({
      %run_scoped3A = tpu.sem_alloc : memref<!tpu.dma_semaphore, #tpu.memory_space<semaphore_mem>>
      tpu.enqueue_dma source(%arg3 : memref<128xf32, #tpu.memory_space<hbm>>) target(%arg9 : memref<128xf32, #tpu.memory_space<vmem>>) target_semaphore(%run_scoped3A : memref<!tpu.dma_semaphore, #tpu.memory_space<semaphore_mem>>)
      tpu.wait_dma2 semaphore(%run_scoped3A : memref<!tpu.dma_semaphore, #tpu.memory_space<semaphore_mem>>) src(%arg3 : memref<128xf32, #tpu.memory_space<hbm>>) dst(%arg9 : memref<128xf32, #tpu.memory_space<vmem>>)
      tpu.yield
    }) : () -> ()
    %mul3A_1 = arith.constant 80 : i32
    %mul3A_2 = arith.muli %add3A, %mul3A_1 : i32
    "tpu.region"() ({
      %run_scoped3A = tpu.sem_alloc : memref<!tpu.dma_semaphore, #tpu.memory_space<semaphore_mem>>
      %dma_start3A = arith.constant 0 : i32
      %dma_start3A_26 = tpu.memref_slice %arg2[%mul3A_2, %dma_start3A] : memref<2560x128xi32, #tpu.memory_space<hbm>> -> memref<80x128xi32, #tpu.memory_space<hbm>>
      %dma_start3A_27 = arith.constant 0 : i32
      %dma_start3A_28 = tpu.memref_slice %arg2[%mul3A_2, %dma_start3A_27] : memref<2560x128xi32, #tpu.memory_space<hbm>> -> memref<80x128xi32, #tpu.memory_space<hbm>>
      tpu.enqueue_dma source(%dma_start3A_28 : memref<80x128xi32, #tpu.memory_space<hbm>>) target(%arg8 : memref<80x128xi32, #tpu.memory_space<vmem>>) target_semaphore(%run_scoped3A : memref<!tpu.dma_semaphore, #tpu.memory_space<semaphore_mem>>)
      %dma_wait3A = arith.constant 0 : i32
      %dma_wait3A_29 = tpu.memref_slice %arg2[%mul3A_2, %dma_wait3A] : memref<2560x128xi32, #tpu.memory_space<hbm>> -> memref<80x128xi32, #tpu.memory_space<hbm>>
      %dma_wait3A_30 = arith.constant 0 : i32
      %dma_wait3A_31 = tpu.memref_slice %arg2[%mul3A_2, %dma_wait3A_30] : memref<2560x128xi32, #tpu.memory_space<hbm>> -> memref<80x128xi32, #tpu.memory_space<hbm>>
      tpu.wait_dma2 semaphore(%run_scoped3A : memref<!tpu.dma_semaphore, #tpu.memory_space<semaphore_mem>>) src(%dma_wait3A_31 : memref<80x128xi32, #tpu.memory_space<hbm>>) dst(%arg8 : memref<80x128xi32, #tpu.memory_space<vmem>>)
      tpu.yield
    }) : () -> ()
    %eq3A = arith.constant 0 : i32
    %eq3A_3 = arith.cmpi eq, %arg1, %eq3A : i32
    %convert_element_type3A = arith.extui %eq3A_3 : i1 to i32
    %cond3A = arith.constant 0 : i32
    %cond3A_4 = arith.cmpi ne, %convert_element_type3A, %cond3A : i32
    scf.if %cond3A_4 {
      "tpu.region"() ({
        %run_scoped3A = tpu.sem_alloc : memref<!tpu.dma_semaphore, #tpu.memory_space<semaphore_mem>>
        tpu.enqueue_dma source(%arg4 : memref<10512xf32, #tpu.memory_space<hbm>>) target(%arg7 : memref<10512xf32, #tpu.memory_space<vmem_shared>>) target_semaphore(%run_scoped3A : memref<!tpu.dma_semaphore, #tpu.memory_space<semaphore_mem>>)
        tpu.wait_dma2 semaphore(%run_scoped3A : memref<!tpu.dma_semaphore, #tpu.memory_space<semaphore_mem>>) src(%arg4 : memref<10512xf32, #tpu.memory_space<hbm>>) dst(%arg7 : memref<10512xf32, #tpu.memory_space<vmem_shared>>)
        tpu.yield
      }) : () -> ()
    } else {
    }
    %barrier3A = arith.constant 0 : index
    tpu.barrier barrier_id(%barrier3A)
    %scan3A = arith.constant 0 : i32
    %scan3A_5 = arith.constant 0 : i32
    %scan3A_6 = arith.constant 10 : i32
    %scan3A_7 = arith.addi %scan3A_5, %scan3A_6 : i32
    %scan3A_8 = arith.constant 1 : i32
    scf.for %scan3A_26 = %scan3A_5 to %scan3A_7 step %scan3A_8  : i32 {
      %mul3A_27 = arith.constant 8 : i32
      %mul3A_28 = arith.muli %scan3A_26, %mul3A_27 : i32
      %add3A_29 = arith.constant 0 : i32
      %add3A_30 = arith.addi %mul3A_28, %add3A_29 : i32
      %dma_start3A = arith.constant 0 : i32
      %dma_start3A_31 = tpu.memref_slice %arg8[%add3A_30, %dma_start3A] : memref<80x128xi32, #tpu.memory_space<vmem>> -> memref<1x128xi32, #tpu.memory_space<vmem>>
      %dma_start3A_32 = tpu.memref_squeeze %dma_start3A_31 : memref<1x128xi32, #tpu.memory_space<vmem>> -> memref<128xi32, #tpu.memory_space<vmem>>
      %dma_start3A_33 = arith.constant 0 : i32
      %dma_start3A_34 = tpu.memref_slice %arg7[%dma_start3A_33] : memref<10512xf32, #tpu.memory_space<vmem_shared>> -> memref<10512xf32, #tpu.memory_space<vmem_shared>>
      tpu.enqueue_indirect_dma source(%arg9 : memref<128xf32, #tpu.memory_space<vmem>>) target(%dma_start3A_34 : memref<10512xf32, #tpu.memory_space<vmem_shared>>) offsets(%dma_start3A_32 : memref<128xi32, #tpu.memory_space<vmem>>) semaphore(%arg10 : memref<!tpu.dma_semaphore, #tpu.memory_space<semaphore_mem>>) {add = true}
      %add3A_35 = arith.constant 1 : i32
      %add3A_36 = arith.addi %mul3A_28, %add3A_35 : i32
      %dma_start3A_37 = arith.constant 0 : i32
      %dma_start3A_38 = tpu.memref_slice %arg8[%add3A_36, %dma_start3A_37] : memref<80x128xi32, #tpu.memory_space<vmem>> -> memref<1x128xi32, #tpu.memory_space<vmem>>
      %dma_start3A_39 = tpu.memref_squeeze %dma_start3A_38 : memref<1x128xi32, #tpu.memory_space<vmem>> -> memref<128xi32, #tpu.memory_space<vmem>>
      %dma_start3A_40 = arith.constant 0 : i32
      %dma_start3A_41 = tpu.memref_slice %arg7[%dma_start3A_40] : memref<10512xf32, #tpu.memory_space<vmem_shared>> -> memref<10512xf32, #tpu.memory_space<vmem_shared>>
      tpu.enqueue_indirect_dma source(%arg9 : memref<128xf32, #tpu.memory_space<vmem>>) target(%dma_start3A_41 : memref<10512xf32, #tpu.memory_space<vmem_shared>>) offsets(%dma_start3A_39 : memref<128xi32, #tpu.memory_space<vmem>>) semaphore(%arg10 : memref<!tpu.dma_semaphore, #tpu.memory_space<semaphore_mem>>) {add = true}
      %add3A_42 = arith.constant 2 : i32
      %add3A_43 = arith.addi %mul3A_28, %add3A_42 : i32
      %dma_start3A_44 = arith.constant 0 : i32
      %dma_start3A_45 = tpu.memref_slice %arg8[%add3A_43, %dma_start3A_44] : memref<80x128xi32, #tpu.memory_space<vmem>> -> memref<1x128xi32, #tpu.memory_space<vmem>>
      %dma_start3A_46 = tpu.memref_squeeze %dma_start3A_45 : memref<1x128xi32, #tpu.memory_space<vmem>> -> memref<128xi32, #tpu.memory_space<vmem>>
      %dma_start3A_47 = arith.constant 0 : i32
      %dma_start3A_48 = tpu.memref_slice %arg7[%dma_start3A_47] : memref<10512xf32, #tpu.memory_space<vmem_shared>> -> memref<10512xf32, #tpu.memory_space<vmem_shared>>
      tpu.enqueue_indirect_dma source(%arg9 : memref<128xf32, #tpu.memory_space<vmem>>) target(%dma_start3A_48 : memref<10512xf32, #tpu.memory_space<vmem_shared>>) offsets(%dma_start3A_46 : memref<128xi32, #tpu.memory_space<vmem>>) semaphore(%arg10 : memref<!tpu.dma_semaphore, #tpu.memory_space<semaphore_mem>>) {add = true}
      %add3A_49 = arith.constant 3 : i32
      %add3A_50 = arith.addi %mul3A_28, %add3A_49 : i32
      %dma_start3A_51 = arith.constant 0 : i32
      %dma_start3A_52 = tpu.memref_slice %arg8[%add3A_50, %dma_start3A_51] : memref<80x128xi32, #tpu.memory_space<vmem>> -> memref<1x128xi32, #tpu.memory_space<vmem>>
      %dma_start3A_53 = tpu.memref_squeeze %dma_start3A_52 : memref<1x128xi32, #tpu.memory_space<vmem>> -> memref<128xi32, #tpu.memory_space<vmem>>
      %dma_start3A_54 = arith.constant 0 : i32
      %dma_start3A_55 = tpu.memref_slice %arg7[%dma_start3A_54] : memref<10512xf32, #tpu.memory_space<vmem_shared>> -> memref<10512xf32, #tpu.memory_space<vmem_shared>>
      tpu.enqueue_indirect_dma source(%arg9 : memref<128xf32, #tpu.memory_space<vmem>>) target(%dma_start3A_55 : memref<10512xf32, #tpu.memory_space<vmem_shared>>) offsets(%dma_start3A_53 : memref<128xi32, #tpu.memory_space<vmem>>) semaphore(%arg10 : memref<!tpu.dma_semaphore, #tpu.memory_space<semaphore_mem>>) {add = true}
      %add3A_56 = arith.constant 4 : i32
      %add3A_57 = arith.addi %mul3A_28, %add3A_56 : i32
      %dma_start3A_58 = arith.constant 0 : i32
      %dma_start3A_59 = tpu.memref_slice %arg8[%add3A_57, %dma_start3A_58] : memref<80x128xi32, #tpu.memory_space<vmem>> -> memref<1x128xi32, #tpu.memory_space<vmem>>
      %dma_start3A_60 = tpu.memref_squeeze %dma_start3A_59 : memref<1x128xi32, #tpu.memory_space<vmem>> -> memref<128xi32, #tpu.memory_space<vmem>>
      %dma_start3A_61 = arith.constant 0 : i32
      %dma_start3A_62 = tpu.memref_slice %arg7[%dma_start3A_61] : memref<10512xf32, #tpu.memory_space<vmem_shared>> -> memref<10512xf32, #tpu.memory_space<vmem_shared>>
      tpu.enqueue_indirect_dma source(%arg9 : memref<128xf32, #tpu.memory_space<vmem>>) target(%dma_start3A_62 : memref<10512xf32, #tpu.memory_space<vmem_shared>>) offsets(%dma_start3A_60 : memref<128xi32, #tpu.memory_space<vmem>>) semaphore(%arg10 : memref<!tpu.dma_semaphore, #tpu.memory_space<semaphore_mem>>) {add = true}
      %add3A_63 = arith.constant 5 : i32
      %add3A_64 = arith.addi %mul3A_28, %add3A_63 : i32
      %dma_start3A_65 = arith.constant 0 : i32
      %dma_start3A_66 = tpu.memref_slice %arg8[%add3A_64, %dma_start3A_65] : memref<80x128xi32, #tpu.memory_space<vmem>> -> memref<1x128xi32, #tpu.memory_space<vmem>>
      %dma_start3A_67 = tpu.memref_squeeze %dma_start3A_66 : memref<1x128xi32, #tpu.memory_space<vmem>> -> memref<128xi32, #tpu.memory_space<vmem>>
      %dma_start3A_68 = arith.constant 0 : i32
      %dma_start3A_69 = tpu.memref_slice %arg7[%dma_start3A_68] : memref<10512xf32, #tpu.memory_space<vmem_shared>> -> memref<10512xf32, #tpu.memory_space<vmem_shared>>
      tpu.enqueue_indirect_dma source(%arg9 : memref<128xf32, #tpu.memory_space<vmem>>) target(%dma_start3A_69 : memref<10512xf32, #tpu.memory_space<vmem_shared>>) offsets(%dma_start3A_67 : memref<128xi32, #tpu.memory_space<vmem>>) semaphore(%arg10 : memref<!tpu.dma_semaphore, #tpu.memory_space<semaphore_mem>>) {add = true}
      %add3A_70 = arith.constant 6 : i32
      %add3A_71 = arith.addi %mul3A_28, %add3A_70 : i32
      %dma_start3A_72 = arith.constant 0 : i32
      %dma_start3A_73 = tpu.memref_slice %arg8[%add3A_71, %dma_start3A_72] : memref<80x128xi32, #tpu.memory_space<vmem>> -> memref<1x128xi32, #tpu.memory_space<vmem>>
      %dma_start3A_74 = tpu.memref_squeeze %dma_start3A_73 : memref<1x128xi32, #tpu.memory_space<vmem>> -> memref<128xi32, #tpu.memory_space<vmem>>
      %dma_start3A_75 = arith.constant 0 : i32
      %dma_start3A_76 = tpu.memref_slice %arg7[%dma_start3A_75] : memref<10512xf32, #tpu.memory_space<vmem_shared>> -> memref<10512xf32, #tpu.memory_space<vmem_shared>>
      tpu.enqueue_indirect_dma source(%arg9 : memref<128xf32, #tpu.memory_space<vmem>>) target(%dma_start3A_76 : memref<10512xf32, #tpu.memory_space<vmem_shared>>) offsets(%dma_start3A_74 : memref<128xi32, #tpu.memory_space<vmem>>) semaphore(%arg10 : memref<!tpu.dma_semaphore, #tpu.memory_space<semaphore_mem>>) {add = true}
      %add3A_77 = arith.constant 7 : i32
      %add3A_78 = arith.addi %mul3A_28, %add3A_77 : i32
      %dma_start3A_79 = arith.constant 0 : i32
      %dma_start3A_80 = tpu.memref_slice %arg8[%add3A_78, %dma_start3A_79] : memref<80x128xi32, #tpu.memory_space<vmem>> -> memref<1x128xi32, #tpu.memory_space<vmem>>
      %dma_start3A_81 = tpu.memref_squeeze %dma_start3A_80 : memref<1x128xi32, #tpu.memory_space<vmem>> -> memref<128xi32, #tpu.memory_space<vmem>>
      %dma_start3A_82 = arith.constant 0 : i32
      %dma_start3A_83 = tpu.memref_slice %arg7[%dma_start3A_82] : memref<10512xf32, #tpu.memory_space<vmem_shared>> -> memref<10512xf32, #tpu.memory_space<vmem_shared>>
      tpu.enqueue_indirect_dma source(%arg9 : memref<128xf32, #tpu.memory_space<vmem>>) target(%dma_start3A_83 : memref<10512xf32, #tpu.memory_space<vmem_shared>>) offsets(%dma_start3A_81 : memref<128xi32, #tpu.memory_space<vmem>>) semaphore(%arg10 : memref<!tpu.dma_semaphore, #tpu.memory_space<semaphore_mem>>) {add = true}
      %dma_wait3A = arith.constant 0 : i32
      %dma_wait3A_84 = tpu.memref_slice %arg8[%add3A_30, %dma_wait3A] : memref<80x128xi32, #tpu.memory_space<vmem>> -> memref<1x128xi32, #tpu.memory_space<vmem>>
      %dma_wait3A_85 = tpu.memref_squeeze %dma_wait3A_84 : memref<1x128xi32, #tpu.memory_space<vmem>> -> memref<128xi32, #tpu.memory_space<vmem>>
      %dma_wait3A_86 = arith.constant 0 : i32
      %dma_wait3A_87 = tpu.memref_slice %arg7[%dma_wait3A_86] : memref<10512xf32, #tpu.memory_space<vmem_shared>> -> memref<10512xf32, #tpu.memory_space<vmem_shared>>
      tpu.wait_indirect_dma semaphore(%arg10 : memref<!tpu.dma_semaphore, #tpu.memory_space<semaphore_mem>>) src(%arg9 : memref<128xf32, #tpu.memory_space<vmem>>) dst(%dma_wait3A_87 : memref<10512xf32, #tpu.memory_space<vmem_shared>>)
      %dma_wait3A_88 = arith.constant 0 : i32
      %dma_wait3A_89 = tpu.memref_slice %arg8[%add3A_36, %dma_wait3A_88] : memref<80x128xi32, #tpu.memory_space<vmem>> -> memref<1x128xi32, #tpu.memory_space<vmem>>
      %dma_wait3A_90 = tpu.memref_squeeze %dma_wait3A_89 : memref<1x128xi32, #tpu.memory_space<vmem>> -> memref<128xi32, #tpu.memory_space<vmem>>
      %dma_wait3A_91 = arith.constant 0 : i32
      %dma_wait3A_92 = tpu.memref_slice %arg7[%dma_wait3A_91] : memref<10512xf32, #tpu.memory_space<vmem_shared>> -> memref<10512xf32, #tpu.memory_space<vmem_shared>>
      tpu.wait_indirect_dma semaphore(%arg10 : memref<!tpu.dma_semaphore, #tpu.memory_space<semaphore_mem>>) src(%arg9 : memref<128xf32, #tpu.memory_space<vmem>>) dst(%dma_wait3A_92 : memref<10512xf32, #tpu.memory_space<vmem_shared>>)
      %dma_wait3A_93 = arith.constant 0 : i32
      %dma_wait3A_94 = tpu.memref_slice %arg8[%add3A_43, %dma_wait3A_93] : memref<80x128xi32, #tpu.memory_space<vmem>> -> memref<1x128xi32, #tpu.memory_space<vmem>>
      %dma_wait3A_95 = tpu.memref_squeeze %dma_wait3A_94 : memref<1x128xi32, #tpu.memory_space<vmem>> -> memref<128xi32, #tpu.memory_space<vmem>>
      %dma_wait3A_96 = arith.constant 0 : i32
      %dma_wait3A_97 = tpu.memref_slice %arg7[%dma_wait3A_96] : memref<10512xf32, #tpu.memory_space<vmem_shared>> -> memref<10512xf32, #tpu.memory_space<vmem_shared>>
      tpu.wait_indirect_dma semaphore(%arg10 : memref<!tpu.dma_semaphore, #tpu.memory_space<semaphore_mem>>) src(%arg9 : memref<128xf32, #tpu.memory_space<vmem>>) dst(%dma_wait3A_97 : memref<10512xf32, #tpu.memory_space<vmem_shared>>)
      %dma_wait3A_98 = arith.constant 0 : i32
      %dma_wait3A_99 = tpu.memref_slice %arg8[%add3A_50, %dma_wait3A_98] : memref<80x128xi32, #tpu.memory_space<vmem>> -> memref<1x128xi32, #tpu.memory_space<vmem>>
      %dma_wait3A_100 = tpu.memref_squeeze %dma_wait3A_99 : memref<1x128xi32, #tpu.memory_space<vmem>> -> memref<128xi32, #tpu.memory_space<vmem>>
      %dma_wait3A_101 = arith.constant 0 : i32
      %dma_wait3A_102 = tpu.memref_slice %arg7[%dma_wait3A_101] : memref<10512xf32, #tpu.memory_space<vmem_shared>> -> memref<10512xf32, #tpu.memory_space<vmem_shared>>
      tpu.wait_indirect_dma semaphore(%arg10 : memref<!tpu.dma_semaphore, #tpu.memory_space<semaphore_mem>>) src(%arg9 : memref<128xf32, #tpu.memory_space<vmem>>) dst(%dma_wait3A_102 : memref<10512xf32, #tpu.memory_space<vmem_shared>>)
      %dma_wait3A_103 = arith.constant 0 : i32
      %dma_wait3A_104 = tpu.memref_slice %arg8[%add3A_57, %dma_wait3A_103] : memref<80x128xi32, #tpu.memory_space<vmem>> -> memref<1x128xi32, #tpu.memory_space<vmem>>
      %dma_wait3A_105 = tpu.memref_squeeze %dma_wait3A_104 : memref<1x128xi32, #tpu.memory_space<vmem>> -> memref<128xi32, #tpu.memory_space<vmem>>
      %dma_wait3A_106 = arith.constant 0 : i32
      %dma_wait3A_107 = tpu.memref_slice %arg7[%dma_wait3A_106] : memref<10512xf32, #tpu.memory_space<vmem_shared>> -> memref<10512xf32, #tpu.memory_space<vmem_shared>>
      tpu.wait_indirect_dma semaphore(%arg10 : memref<!tpu.dma_semaphore, #tpu.memory_space<semaphore_mem>>) src(%arg9 : memref<128xf32, #tpu.memory_space<vmem>>) dst(%dma_wait3A_107 : memref<10512xf32, #tpu.memory_space<vmem_shared>>)
      %dma_wait3A_108 = arith.constant 0 : i32
      %dma_wait3A_109 = tpu.memref_slice %arg8[%add3A_64, %dma_wait3A_108] : memref<80x128xi32, #tpu.memory_space<vmem>> -> memref<1x128xi32, #tpu.memory_space<vmem>>
      %dma_wait3A_110 = tpu.memref_squeeze %dma_wait3A_109 : memref<1x128xi32, #tpu.memory_space<vmem>> -> memref<128xi32, #tpu.memory_space<vmem>>
      %dma_wait3A_111 = arith.constant 0 : i32
      %dma_wait3A_112 = tpu.memref_slice %arg7[%dma_wait3A_111] : memref<10512xf32, #tpu.memory_space<vmem_shared>> -> memref<10512xf32, #tpu.memory_space<vmem_shared>>
      tpu.wait_indirect_dma semaphore(%arg10 : memref<!tpu.dma_semaphore, #tpu.memory_space<semaphore_mem>>) src(%arg9 : memref<128xf32, #tpu.memory_space<vmem>>) dst(%dma_wait3A_112 : memref<10512xf32, #tpu.memory_space<vmem_shared>>)
      %dma_wait3A_113 = arith.constant 0 : i32
      %dma_wait3A_114 = tpu.memref_slice %arg8[%add3A_71, %dma_wait3A_113] : memref<80x128xi32, #tpu.memory_space<vmem>> -> memref<1x128xi32, #tpu.memory_space<vmem>>
      %dma_wait3A_115 = tpu.memref_squeeze %dma_wait3A_114 : memref<1x128xi32, #tpu.memory_space<vmem>> -> memref<128xi32, #tpu.memory_space<vmem>>
      %dma_wait3A_116 = arith.constant 0 : i32
      %dma_wait3A_117 = tpu.memref_slice %arg7[%dma_wait3A_116] : memref<10512xf32, #tpu.memory_space<vmem_shared>> -> memref<10512xf32, #tpu.memory_space<vmem_shared>>
      tpu.wait_indirect_dma semaphore(%arg10 : memref<!tpu.dma_semaphore, #tpu.memory_space<semaphore_mem>>) src(%arg9 : memref<128xf32, #tpu.memory_space<vmem>>) dst(%dma_wait3A_117 : memref<10512xf32, #tpu.memory_space<vmem_shared>>)
      %dma_wait3A_118 = arith.constant 0 : i32
      %dma_wait3A_119 = tpu.memref_slice %arg8[%add3A_78, %dma_wait3A_118] : memref<80x128xi32, #tpu.memory_space<vmem>> -> memref<1x128xi32, #tpu.memory_space<vmem>>
      %dma_wait3A_120 = tpu.memref_squeeze %dma_wait3A_119 : memref<1x128xi32, #tpu.memory_space<vmem>> -> memref<128xi32, #tpu.memory_space<vmem>>
      %dma_wait3A_121 = arith.constant 0 : i32
      %dma_wait3A_122 = tpu.memref_slice %arg7[%dma_wait3A_121] : memref<10512xf32, #tpu.memory_space<vmem_shared>> -> memref<10512xf32, #tpu.memory_space<vmem_shared>>
      tpu.wait_indirect_dma semaphore(%arg10 : memref<!tpu.dma_semaphore, #tpu.memory_space<semaphore_mem>>) src(%arg9 : memref<128xf32, #tpu.memory_space<vmem>>) dst(%dma_wait3A_122 : memref<10512xf32, #tpu.memory_space<vmem_shared>>)
    }
    %scan3A_9 = arith.constant 10 : i32
    %barrier3A_10 = arith.constant 0 : index
    tpu.barrier barrier_id(%barrier3A_10)
    %eq3A_11 = arith.constant 0 : i32
    %eq3A_12 = arith.cmpi eq, %arg1, %eq3A_11 : i32
    %eq3A_13 = arith.constant 0 : i32
    %eq3A_14 = arith.cmpi eq, %arg0, %eq3A_13 : i32
    %and3A = arith.andi %eq3A_12, %eq3A_14 : i1
    %convert_element_type3A_15 = arith.extui %and3A : i1 to i32
    %cond3A_16 = arith.constant 0 : i32
    %cond3A_17 = arith.cmpi ne, %convert_element_type3A_15, %cond3A_16 : i32
    scf.if %cond3A_17 {
      "tpu.region"() ({
        %run_scoped3A = tpu.sem_alloc : memref<!tpu.dma_semaphore, #tpu.memory_space<semaphore_mem>>
        tpu.enqueue_dma source(%arg7 : memref<10512xf32, #tpu.memory_space<vmem_shared>>) target(%arg5 : memref<10512xf32, #tpu.memory_space<hbm>>) target_semaphore(%run_scoped3A : memref<!tpu.dma_semaphore, #tpu.memory_space<semaphore_mem>>)
        tpu.wait_dma2 semaphore(%run_scoped3A : memref<!tpu.dma_semaphore, #tpu.memory_space<semaphore_mem>>) src(%arg7 : memref<10512xf32, #tpu.memory_space<vmem_shared>>) dst(%arg5 : memref<10512xf32, #tpu.memory_space<hbm>>)
        tpu.yield
      }) : () -> ()
    } else {
    }
    %eq3A_18 = arith.constant 0 : i32
    %eq3A_19 = arith.cmpi eq, %arg1, %eq3A_18 : i32
    %eq3A_20 = arith.constant 1 : i32
    %eq3A_21 = arith.cmpi eq, %arg0, %eq3A_20 : i32
    %and3A_22 = arith.andi %eq3A_19, %eq3A_21 : i1
    %convert_element_type3A_23 = arith.extui %and3A_22 : i1 to i32
    %cond3A_24 = arith.constant 0 : i32
    %cond3A_25 = arith.cmpi ne, %convert_element_type3A_23, %cond3A_24 : i32
    scf.if %cond3A_25 {
      "tpu.region"() ({
        %run_scoped3A = tpu.sem_alloc : memref<!tpu.dma_semaphore, #tpu.memory_space<semaphore_mem>>
        tpu.enqueue_dma source(%arg7 : memref<10512xf32, #tpu.memory_space<vmem_shared>>) target(%arg6 : memref<10512xf32, #tpu.memory_space<hbm>>) target_semaphore(%run_scoped3A : memref<!tpu.dma_semaphore, #tpu.memory_space<semaphore_mem>>)
        tpu.wait_dma2 semaphore(%run_scoped3A : memref<!tpu.dma_semaphore, #tpu.memory_space<semaphore_mem>>) src(%arg7 : memref<10512xf32, #tpu.memory_space<vmem_shared>>) dst(%arg6 : memref<10512xf32, #tpu.memory_space<hbm>>)
        tpu.yield
      }) : () -> ()
    } else {
    }
    return
  }
}

#map = affine_map<(d0, d1) -> (0, 0)>
#map1 = affine_map<(d0, d1) -> (0)>
module attributes {stable_mosaic.version = 14 : i64} {
  func.func @_gather2_body(%arg0: i32, %arg1: i32, %arg2: memref<10000x128xf32, #tpu.memory_space<hbm>>, %arg3: memref<10000x128xf32, #tpu.memory_space<hbm>>, %arg4: memref<40960xi32, #tpu.memory_space<hbm>>, %arg5: memref<40960xi32, #tpu.memory_space<hbm>>, %arg6: memref<40960x128xf32, #tpu.memory_space<hbm>>, %arg7: memref<40960x128xf32, #tpu.memory_space<hbm>>, %arg8: memref<1280xi32, #tpu.memory_space<vmem>>, %arg9: memref<1280xi32, #tpu.memory_space<vmem>>, %arg10: memref<128x128xf32, #tpu.memory_space<vmem>>, %arg11: memref<128x128xf32, #tpu.memory_space<vmem>>, %arg12: memref<128x128xf32, #tpu.memory_space<vmem>>, %arg13: memref<128x128xf32, #tpu.memory_space<vmem>>, %arg14: memref<!tpu.dma_semaphore, #tpu.memory_space<semaphore_mem>>, %arg15: memref<!tpu.dma_semaphore, #tpu.memory_space<semaphore_mem>>, %arg16: memref<!tpu.dma_semaphore, #tpu.memory_space<semaphore_mem>>, %arg17: memref<!tpu.dma_semaphore, #tpu.memory_space<semaphore_mem>>, %arg18: memref<!tpu.dma_semaphore, #tpu.memory_space<semaphore_mem>>) attributes {dimension_semantics = [#tpu.dimension_semantics<core_parallel>, #tpu.dimension_semantics<subcore_parallel>], iteration_bounds = array<i64: 2, 16>, scalar_prefetch = 0 : i64, scratch_operands = 11 : i64, tpu.core_type = #tpu.core_type<sc_vector_subcore>, window_params = [{transform_indices = #map}, {transform_indices = #map}, {transform_indices = #map1}, {transform_indices = #map1}, {transform_indices = #map}, {transform_indices = #map}]} {
    %mul3A = arith.constant 2 : i32
    %mul3A_0 = arith.muli %arg1, %mul3A : i32
    %add3A = arith.addi %mul3A_0, %arg0 : i32
    %mul3A_1 = arith.constant 1280 : i32
    %mul3A_2 = arith.muli %add3A, %mul3A_1 : i32
    "tpu.region"() ({
      %run_scoped3A = tpu.sem_alloc : memref<!tpu.dma_semaphore, #tpu.memory_space<semaphore_mem>>
      %dma_start3A = tpu.memref_slice %arg4[%mul3A_2] : memref<40960xi32, #tpu.memory_space<hbm>> -> memref<1280xi32, #tpu.memory_space<hbm>>
      %dma_start3A_8 = tpu.memref_slice %arg4[%mul3A_2] : memref<40960xi32, #tpu.memory_space<hbm>> -> memref<1280xi32, #tpu.memory_space<hbm>>
      tpu.enqueue_dma source(%dma_start3A_8 : memref<1280xi32, #tpu.memory_space<hbm>>) target(%arg8 : memref<1280xi32, #tpu.memory_space<vmem>>) target_semaphore(%run_scoped3A : memref<!tpu.dma_semaphore, #tpu.memory_space<semaphore_mem>>)
      %dma_wait3A = tpu.memref_slice %arg4[%mul3A_2] : memref<40960xi32, #tpu.memory_space<hbm>> -> memref<1280xi32, #tpu.memory_space<hbm>>
      %dma_wait3A_9 = tpu.memref_slice %arg4[%mul3A_2] : memref<40960xi32, #tpu.memory_space<hbm>> -> memref<1280xi32, #tpu.memory_space<hbm>>
      tpu.wait_dma2 semaphore(%run_scoped3A : memref<!tpu.dma_semaphore, #tpu.memory_space<semaphore_mem>>) src(%dma_wait3A_9 : memref<1280xi32, #tpu.memory_space<hbm>>) dst(%arg8 : memref<1280xi32, #tpu.memory_space<vmem>>)
      tpu.yield
    }) : () -> ()
    "tpu.region"() ({
      %run_scoped3A = tpu.sem_alloc : memref<!tpu.dma_semaphore, #tpu.memory_space<semaphore_mem>>
      %dma_start3A = tpu.memref_slice %arg5[%mul3A_2] : memref<40960xi32, #tpu.memory_space<hbm>> -> memref<1280xi32, #tpu.memory_space<hbm>>
      %dma_start3A_8 = tpu.memref_slice %arg5[%mul3A_2] : memref<40960xi32, #tpu.memory_space<hbm>> -> memref<1280xi32, #tpu.memory_space<hbm>>
      tpu.enqueue_dma source(%dma_start3A_8 : memref<1280xi32, #tpu.memory_space<hbm>>) target(%arg9 : memref<1280xi32, #tpu.memory_space<vmem>>) target_semaphore(%run_scoped3A : memref<!tpu.dma_semaphore, #tpu.memory_space<semaphore_mem>>)
      %dma_wait3A = tpu.memref_slice %arg5[%mul3A_2] : memref<40960xi32, #tpu.memory_space<hbm>> -> memref<1280xi32, #tpu.memory_space<hbm>>
      %dma_wait3A_9 = tpu.memref_slice %arg5[%mul3A_2] : memref<40960xi32, #tpu.memory_space<hbm>> -> memref<1280xi32, #tpu.memory_space<hbm>>
      tpu.wait_dma2 semaphore(%run_scoped3A : memref<!tpu.dma_semaphore, #tpu.memory_space<semaphore_mem>>) src(%dma_wait3A_9 : memref<1280xi32, #tpu.memory_space<hbm>>) dst(%arg9 : memref<1280xi32, #tpu.memory_space<vmem>>)
      tpu.yield
    }) : () -> ()
    %scan3A = arith.constant 0 : i32
    %scan3A_3 = arith.constant 0 : i32
    %scan3A_4 = arith.constant 5 : i32
    %scan3A_5 = arith.addi %scan3A_3, %scan3A_4 : i32
    %scan3A_6 = arith.constant 1 : i32
    scf.for %scan3A_8 = %scan3A_3 to %scan3A_5 step %scan3A_6  : i32 {
      %mul3A_9 = arith.constant 2 : i32
      %mul3A_10 = arith.muli %scan3A_8, %mul3A_9 : i32
      %add3A_11 = arith.constant 0 : i32
      %add3A_12 = arith.addi %mul3A_10, %add3A_11 : i32
      %mul3A_13 = arith.constant 128 : i32
      %mul3A_14 = arith.muli %add3A_12, %mul3A_13 : i32
      %dma_start3A = tpu.memref_slice %arg8[%mul3A_14] : memref<1280xi32, #tpu.memory_space<vmem>> -> memref<128xi32, #tpu.memory_space<vmem>>
      %dma_start3A_15 = arith.constant 0 : i32
      %dma_start3A_16 = arith.constant 0 : i32
      %dma_start3A_17 = tpu.memref_slice %arg2[%dma_start3A_15, %dma_start3A_16] : memref<10000x128xf32, #tpu.memory_space<hbm>> -> memref<10000x128xf32, #tpu.memory_space<hbm>>
      tpu.enqueue_indirect_dma source(%dma_start3A_17 : memref<10000x128xf32, #tpu.memory_space<hbm>>) target(%arg10 : memref<128x128xf32, #tpu.memory_space<vmem>>) offsets(%dma_start3A : memref<128xi32, #tpu.memory_space<vmem>>) semaphore(%arg14 : memref<!tpu.dma_semaphore, #tpu.memory_space<semaphore_mem>>)
      %dma_start3A_18 = tpu.memref_slice %arg9[%mul3A_14] : memref<1280xi32, #tpu.memory_space<vmem>> -> memref<128xi32, #tpu.memory_space<vmem>>
      %dma_start3A_19 = arith.constant 0 : i32
      %dma_start3A_20 = arith.constant 0 : i32
      %dma_start3A_21 = tpu.memref_slice %arg3[%dma_start3A_19, %dma_start3A_20] : memref<10000x128xf32, #tpu.memory_space<hbm>> -> memref<10000x128xf32, #tpu.memory_space<hbm>>
      tpu.enqueue_indirect_dma source(%dma_start3A_21 : memref<10000x128xf32, #tpu.memory_space<hbm>>) target(%arg12 : memref<128x128xf32, #tpu.memory_space<vmem>>) offsets(%dma_start3A_18 : memref<128xi32, #tpu.memory_space<vmem>>) semaphore(%arg16 : memref<!tpu.dma_semaphore, #tpu.memory_space<semaphore_mem>>)
      %add3A_22 = arith.constant 1 : i32
      %add3A_23 = arith.addi %mul3A_10, %add3A_22 : i32
      %mul3A_24 = arith.constant 128 : i32
      %mul3A_25 = arith.muli %add3A_23, %mul3A_24 : i32
      %dma_start3A_26 = tpu.memref_slice %arg8[%mul3A_25] : memref<1280xi32, #tpu.memory_space<vmem>> -> memref<128xi32, #tpu.memory_space<vmem>>
      %dma_start3A_27 = arith.constant 0 : i32
      %dma_start3A_28 = arith.constant 0 : i32
      %dma_start3A_29 = tpu.memref_slice %arg2[%dma_start3A_27, %dma_start3A_28] : memref<10000x128xf32, #tpu.memory_space<hbm>> -> memref<10000x128xf32, #tpu.memory_space<hbm>>
      tpu.enqueue_indirect_dma source(%dma_start3A_29 : memref<10000x128xf32, #tpu.memory_space<hbm>>) target(%arg11 : memref<128x128xf32, #tpu.memory_space<vmem>>) offsets(%dma_start3A_26 : memref<128xi32, #tpu.memory_space<vmem>>) semaphore(%arg15 : memref<!tpu.dma_semaphore, #tpu.memory_space<semaphore_mem>>)
      %dma_start3A_30 = tpu.memref_slice %arg9[%mul3A_25] : memref<1280xi32, #tpu.memory_space<vmem>> -> memref<128xi32, #tpu.memory_space<vmem>>
      %dma_start3A_31 = arith.constant 0 : i32
      %dma_start3A_32 = arith.constant 0 : i32
      %dma_start3A_33 = tpu.memref_slice %arg3[%dma_start3A_31, %dma_start3A_32] : memref<10000x128xf32, #tpu.memory_space<hbm>> -> memref<10000x128xf32, #tpu.memory_space<hbm>>
      tpu.enqueue_indirect_dma source(%dma_start3A_33 : memref<10000x128xf32, #tpu.memory_space<hbm>>) target(%arg13 : memref<128x128xf32, #tpu.memory_space<vmem>>) offsets(%dma_start3A_30 : memref<128xi32, #tpu.memory_space<vmem>>) semaphore(%arg17 : memref<!tpu.dma_semaphore, #tpu.memory_space<semaphore_mem>>)
      %add3A_34 = arith.constant 0 : i32
      %add3A_35 = arith.addi %mul3A_10, %add3A_34 : i32
      %mul3A_36 = arith.constant 128 : i32
      %mul3A_37 = arith.muli %add3A_35, %mul3A_36 : i32
      %add3A_38 = arith.addi %mul3A_2, %mul3A_37 : i32
      %dma_wait3A = tpu.memref_slice %arg8[%mul3A_14] : memref<1280xi32, #tpu.memory_space<vmem>> -> memref<128xi32, #tpu.memory_space<vmem>>
      %dma_wait3A_39 = arith.constant 0 : i32
      %dma_wait3A_40 = arith.constant 0 : i32
      %dma_wait3A_41 = tpu.memref_slice %arg2[%dma_wait3A_39, %dma_wait3A_40] : memref<10000x128xf32, #tpu.memory_space<hbm>> -> memref<10000x128xf32, #tpu.memory_space<hbm>>
      tpu.wait_indirect_dma semaphore(%arg14 : memref<!tpu.dma_semaphore, #tpu.memory_space<semaphore_mem>>) src(%dma_wait3A_41 : memref<10000x128xf32, #tpu.memory_space<hbm>>) dst(%arg10 : memref<128x128xf32, #tpu.memory_space<vmem>>)
      %dma_start3A_42 = arith.constant 0 : i32
      %dma_start3A_43 = tpu.memref_slice %arg6[%add3A_38, %dma_start3A_42] : memref<40960x128xf32, #tpu.memory_space<hbm>> -> memref<128x128xf32, #tpu.memory_space<hbm>>
      %dma_start3A_44 = arith.constant 0 : i32
      %dma_start3A_45 = tpu.memref_slice %arg6[%add3A_38, %dma_start3A_44] : memref<40960x128xf32, #tpu.memory_space<hbm>> -> memref<128x128xf32, #tpu.memory_space<hbm>>
      tpu.enqueue_dma source(%arg10 : memref<128x128xf32, #tpu.memory_space<vmem>>) target(%dma_start3A_45 : memref<128x128xf32, #tpu.memory_space<hbm>>) target_semaphore(%arg18 : memref<!tpu.dma_semaphore, #tpu.memory_space<semaphore_mem>>)
      %dma_wait3A_46 = tpu.memref_slice %arg9[%mul3A_14] : memref<1280xi32, #tpu.memory_space<vmem>> -> memref<128xi32, #tpu.memory_space<vmem>>
      %dma_wait3A_47 = arith.constant 0 : i32
      %dma_wait3A_48 = arith.constant 0 : i32
      %dma_wait3A_49 = tpu.memref_slice %arg3[%dma_wait3A_47, %dma_wait3A_48] : memref<10000x128xf32, #tpu.memory_space<hbm>> -> memref<10000x128xf32, #tpu.memory_space<hbm>>
      tpu.wait_indirect_dma semaphore(%arg16 : memref<!tpu.dma_semaphore, #tpu.memory_space<semaphore_mem>>) src(%dma_wait3A_49 : memref<10000x128xf32, #tpu.memory_space<hbm>>) dst(%arg12 : memref<128x128xf32, #tpu.memory_space<vmem>>)
      %dma_start3A_50 = arith.constant 0 : i32
      %dma_start3A_51 = tpu.memref_slice %arg7[%add3A_38, %dma_start3A_50] : memref<40960x128xf32, #tpu.memory_space<hbm>> -> memref<128x128xf32, #tpu.memory_space<hbm>>
      %dma_start3A_52 = arith.constant 0 : i32
      %dma_start3A_53 = tpu.memref_slice %arg7[%add3A_38, %dma_start3A_52] : memref<40960x128xf32, #tpu.memory_space<hbm>> -> memref<128x128xf32, #tpu.memory_space<hbm>>
      tpu.enqueue_dma source(%arg12 : memref<128x128xf32, #tpu.memory_space<vmem>>) target(%dma_start3A_53 : memref<128x128xf32, #tpu.memory_space<hbm>>) target_semaphore(%arg18 : memref<!tpu.dma_semaphore, #tpu.memory_space<semaphore_mem>>)
      %add3A_54 = arith.constant 1 : i32
      %add3A_55 = arith.addi %mul3A_10, %add3A_54 : i32
      %mul3A_56 = arith.constant 128 : i32
      %mul3A_57 = arith.muli %add3A_55, %mul3A_56 : i32
      %add3A_58 = arith.addi %mul3A_2, %mul3A_57 : i32
      %dma_wait3A_59 = tpu.memref_slice %arg8[%mul3A_25] : memref<1280xi32, #tpu.memory_space<vmem>> -> memref<128xi32, #tpu.memory_space<vmem>>
      %dma_wait3A_60 = arith.constant 0 : i32
      %dma_wait3A_61 = arith.constant 0 : i32
      %dma_wait3A_62 = tpu.memref_slice %arg2[%dma_wait3A_60, %dma_wait3A_61] : memref<10000x128xf32, #tpu.memory_space<hbm>> -> memref<10000x128xf32, #tpu.memory_space<hbm>>
      tpu.wait_indirect_dma semaphore(%arg15 : memref<!tpu.dma_semaphore, #tpu.memory_space<semaphore_mem>>) src(%dma_wait3A_62 : memref<10000x128xf32, #tpu.memory_space<hbm>>) dst(%arg11 : memref<128x128xf32, #tpu.memory_space<vmem>>)
      %dma_start3A_63 = arith.constant 0 : i32
      %dma_start3A_64 = tpu.memref_slice %arg6[%add3A_58, %dma_start3A_63] : memref<40960x128xf32, #tpu.memory_space<hbm>> -> memref<128x128xf32, #tpu.memory_space<hbm>>
      %dma_start3A_65 = arith.constant 0 : i32
      %dma_start3A_66 = tpu.memref_slice %arg6[%add3A_58, %dma_start3A_65] : memref<40960x128xf32, #tpu.memory_space<hbm>> -> memref<128x128xf32, #tpu.memory_space<hbm>>
      tpu.enqueue_dma source(%arg11 : memref<128x128xf32, #tpu.memory_space<vmem>>) target(%dma_start3A_66 : memref<128x128xf32, #tpu.memory_space<hbm>>) target_semaphore(%arg18 : memref<!tpu.dma_semaphore, #tpu.memory_space<semaphore_mem>>)
      %dma_wait3A_67 = tpu.memref_slice %arg9[%mul3A_25] : memref<1280xi32, #tpu.memory_space<vmem>> -> memref<128xi32, #tpu.memory_space<vmem>>
      %dma_wait3A_68 = arith.constant 0 : i32
      %dma_wait3A_69 = arith.constant 0 : i32
      %dma_wait3A_70 = tpu.memref_slice %arg3[%dma_wait3A_68, %dma_wait3A_69] : memref<10000x128xf32, #tpu.memory_space<hbm>> -> memref<10000x128xf32, #tpu.memory_space<hbm>>
      tpu.wait_indirect_dma semaphore(%arg17 : memref<!tpu.dma_semaphore, #tpu.memory_space<semaphore_mem>>) src(%dma_wait3A_70 : memref<10000x128xf32, #tpu.memory_space<hbm>>) dst(%arg13 : memref<128x128xf32, #tpu.memory_space<vmem>>)
      %dma_start3A_71 = arith.constant 0 : i32
      %dma_start3A_72 = tpu.memref_slice %arg7[%add3A_58, %dma_start3A_71] : memref<40960x128xf32, #tpu.memory_space<hbm>> -> memref<128x128xf32, #tpu.memory_space<hbm>>
      %dma_start3A_73 = arith.constant 0 : i32
      %dma_start3A_74 = tpu.memref_slice %arg7[%add3A_58, %dma_start3A_73] : memref<40960x128xf32, #tpu.memory_space<hbm>> -> memref<128x128xf32, #tpu.memory_space<hbm>>
      tpu.enqueue_dma source(%arg13 : memref<128x128xf32, #tpu.memory_space<vmem>>) target(%dma_start3A_74 : memref<128x128xf32, #tpu.memory_space<hbm>>) target_semaphore(%arg18 : memref<!tpu.dma_semaphore, #tpu.memory_space<semaphore_mem>>)
      %dma_wait3A_75 = arith.constant 0 : i32
      %dma_wait3A_76 = tpu.memref_slice %arg6[%add3A_38, %dma_wait3A_75] : memref<40960x128xf32, #tpu.memory_space<hbm>> -> memref<128x128xf32, #tpu.memory_space<hbm>>
      %dma_wait3A_77 = arith.constant 0 : i32
      %dma_wait3A_78 = tpu.memref_slice %arg6[%add3A_38, %dma_wait3A_77] : memref<40960x128xf32, #tpu.memory_space<hbm>> -> memref<128x128xf32, #tpu.memory_space<hbm>>
      tpu.wait_dma2 semaphore(%arg18 : memref<!tpu.dma_semaphore, #tpu.memory_space<semaphore_mem>>) src(%arg10 : memref<128x128xf32, #tpu.memory_space<vmem>>) dst(%dma_wait3A_78 : memref<128x128xf32, #tpu.memory_space<hbm>>)
      %dma_wait3A_79 = arith.constant 0 : i32
      %dma_wait3A_80 = tpu.memref_slice %arg7[%add3A_38, %dma_wait3A_79] : memref<40960x128xf32, #tpu.memory_space<hbm>> -> memref<128x128xf32, #tpu.memory_space<hbm>>
      %dma_wait3A_81 = arith.constant 0 : i32
      %dma_wait3A_82 = tpu.memref_slice %arg7[%add3A_38, %dma_wait3A_81] : memref<40960x128xf32, #tpu.memory_space<hbm>> -> memref<128x128xf32, #tpu.memory_space<hbm>>
      tpu.wait_dma2 semaphore(%arg18 : memref<!tpu.dma_semaphore, #tpu.memory_space<semaphore_mem>>) src(%arg12 : memref<128x128xf32, #tpu.memory_space<vmem>>) dst(%dma_wait3A_82 : memref<128x128xf32, #tpu.memory_space<hbm>>)
      %dma_wait3A_83 = arith.constant 0 : i32
      %dma_wait3A_84 = tpu.memref_slice %arg6[%add3A_58, %dma_wait3A_83] : memref<40960x128xf32, #tpu.memory_space<hbm>> -> memref<128x128xf32, #tpu.memory_space<hbm>>
      %dma_wait3A_85 = arith.constant 0 : i32
      %dma_wait3A_86 = tpu.memref_slice %arg6[%add3A_58, %dma_wait3A_85] : memref<40960x128xf32, #tpu.memory_space<hbm>> -> memref<128x128xf32, #tpu.memory_space<hbm>>
      tpu.wait_dma2 semaphore(%arg18 : memref<!tpu.dma_semaphore, #tpu.memory_space<semaphore_mem>>) src(%arg11 : memref<128x128xf32, #tpu.memory_space<vmem>>) dst(%dma_wait3A_86 : memref<128x128xf32, #tpu.memory_space<hbm>>)
      %dma_wait3A_87 = arith.constant 0 : i32
      %dma_wait3A_88 = tpu.memref_slice %arg7[%add3A_58, %dma_wait3A_87] : memref<40960x128xf32, #tpu.memory_space<hbm>> -> memref<128x128xf32, #tpu.memory_space<hbm>>
      %dma_wait3A_89 = arith.constant 0 : i32
      %dma_wait3A_90 = tpu.memref_slice %arg7[%add3A_58, %dma_wait3A_89] : memref<40960x128xf32, #tpu.memory_space<hbm>> -> memref<128x128xf32, #tpu.memory_space<hbm>>
      tpu.wait_dma2 semaphore(%arg18 : memref<!tpu.dma_semaphore, #tpu.memory_space<semaphore_mem>>) src(%arg13 : memref<128x128xf32, #tpu.memory_space<vmem>>) dst(%dma_wait3A_90 : memref<128x128xf32, #tpu.memory_space<hbm>>)
    }
    %scan3A_7 = arith.constant 5 : i32
    return
  }
}

#map = affine_map<(d0, d1) -> (0, 0)>
#map1 = affine_map<(d0, d1) -> (0)>
#map2 = affine_map<(d0, d1) -> (0, 0, 0)>
module attributes {stable_mosaic.version = 14 : i64} {
  func.func @_agg_body(%arg0: i32, %arg1: i32, %arg2: memref<10000x128xf32, #tpu.memory_space<hbm>>, %arg3: memref<327680xi32, #tpu.memory_space<hbm>>, %arg4: memref<327680xi32, #tpu.memory_space<hbm>>, %arg5: memref<632x128xf32, #tpu.memory_space<hbm>>, %arg6: memref<2x10000x128xf32, #tpu.memory_space<hbm>>, %arg7: memref<10512x128xf32, #tpu.memory_space<vmem_shared>>, %arg8: memref<128xi32, #tpu.memory_space<vmem>>, %arg9: memref<128xi32, #tpu.memory_space<vmem>>, %arg10: memref<128xi32, #tpu.memory_space<vmem>>, %arg11: memref<128xi32, #tpu.memory_space<vmem>>, %arg12: memref<128x128xf32, #tpu.memory_space<vmem>>, %arg13: memref<128x128xf32, #tpu.memory_space<vmem>>, %arg14: memref<!tpu.dma_semaphore, #tpu.memory_space<semaphore_mem>>, %arg15: memref<!tpu.dma_semaphore, #tpu.memory_space<semaphore_mem>>) attributes {dimension_semantics = [#tpu.dimension_semantics<core_parallel>, #tpu.dimension_semantics<subcore_parallel>], iteration_bounds = array<i64: 2, 16>, scalar_prefetch = 0 : i64, scratch_operands = 9 : i64, tpu.core_type = #tpu.core_type<sc_vector_subcore>, window_params = [{transform_indices = #map}, {transform_indices = #map1}, {transform_indices = #map1}, {transform_indices = #map}, {transform_indices = #map2}]} {
    %mul3A = arith.constant 2 : i32
    %mul3A_0 = arith.muli %arg1, %mul3A : i32
    %add3A = arith.addi %mul3A_0, %arg0 : i32
    %lt3A = arith.constant 15 : i32
    %lt3A_1 = arith.cmpi slt, %arg1, %lt3A : i32
    %convert_element_type3A = arith.extui %lt3A_1 : i1 to i32
    %cond3A = arith.constant 0 : i32
    %cond3A_2 = arith.cmpi ne, %convert_element_type3A, %cond3A : i32
    scf.if %cond3A_2 {
      %mul3A_25 = arith.constant 632 : i32
      %mul3A_26 = arith.muli %arg1, %mul3A_25 : i32
      "tpu.region"() ({
        %run_scoped3A = tpu.sem_alloc : memref<!tpu.dma_semaphore, #tpu.memory_space<semaphore_mem>>
        %dma_start3A = arith.constant 0 : i32
        %dma_start3A_27 = tpu.memref_slice %arg7[%mul3A_26, %dma_start3A] : memref<10512x128xf32, #tpu.memory_space<vmem_shared>> -> memref<632x128xf32, #tpu.memory_space<vmem_shared>>
        tpu.enqueue_dma source(%arg5 : memref<632x128xf32, #tpu.memory_space<hbm>>) target(%dma_start3A_27 : memref<632x128xf32, #tpu.memory_space<vmem_shared>>) target_semaphore(%run_scoped3A : memref<!tpu.dma_semaphore, #tpu.memory_space<semaphore_mem>>)
        %dma_wait3A = arith.constant 0 : i32
        %dma_wait3A_28 = tpu.memref_slice %arg7[%mul3A_26, %dma_wait3A] : memref<10512x128xf32, #tpu.memory_space<vmem_shared>> -> memref<632x128xf32, #tpu.memory_space<vmem_shared>>
        tpu.wait_dma2 semaphore(%run_scoped3A : memref<!tpu.dma_semaphore, #tpu.memory_space<semaphore_mem>>) src(%arg5 : memref<632x128xf32, #tpu.memory_space<hbm>>) dst(%dma_wait3A_28 : memref<632x128xf32, #tpu.memory_space<vmem_shared>>)
        tpu.yield
      }) : () -> ()
    } else {
    }
    %eq3A = arith.constant 15 : i32
    %eq3A_3 = arith.cmpi eq, %arg1, %eq3A : i32
    %convert_element_type3A_4 = arith.extui %eq3A_3 : i1 to i32
    %cond3A_5 = arith.constant 0 : i32
    %cond3A_6 = arith.cmpi ne, %convert_element_type3A_4, %cond3A_5 : i32
    scf.if %cond3A_6 {
      "tpu.region"() ({
        %run_scoped3A = tpu.sem_alloc : memref<!tpu.dma_semaphore, #tpu.memory_space<semaphore_mem>>
        %dma_start3A = arith.constant 9480 : i32
        %dma_start3A_25 = arith.constant 0 : i32
        %dma_start3A_26 = tpu.memref_slice %arg7[%dma_start3A, %dma_start3A_25] : memref<10512x128xf32, #tpu.memory_space<vmem_shared>> -> memref<520x128xf32, #tpu.memory_space<vmem_shared>>
        %dma_start3A_27 = arith.constant 0 : i32
        %dma_start3A_28 = arith.constant 0 : i32
        %dma_start3A_29 = tpu.memref_slice %arg5[%dma_start3A_27, %dma_start3A_28] : memref<632x128xf32, #tpu.memory_space<hbm>> -> memref<520x128xf32, #tpu.memory_space<hbm>>
        tpu.enqueue_dma source(%dma_start3A_29 : memref<520x128xf32, #tpu.memory_space<hbm>>) target(%dma_start3A_26 : memref<520x128xf32, #tpu.memory_space<vmem_shared>>) target_semaphore(%run_scoped3A : memref<!tpu.dma_semaphore, #tpu.memory_space<semaphore_mem>>)
        %dma_wait3A = arith.constant 9480 : i32
        %dma_wait3A_30 = arith.constant 0 : i32
        %dma_wait3A_31 = tpu.memref_slice %arg7[%dma_wait3A, %dma_wait3A_30] : memref<10512x128xf32, #tpu.memory_space<vmem_shared>> -> memref<520x128xf32, #tpu.memory_space<vmem_shared>>
        %dma_wait3A_32 = arith.constant 0 : i32
        %dma_wait3A_33 = arith.constant 0 : i32
        %dma_wait3A_34 = tpu.memref_slice %arg5[%dma_wait3A_32, %dma_wait3A_33] : memref<632x128xf32, #tpu.memory_space<hbm>> -> memref<520x128xf32, #tpu.memory_space<hbm>>
        tpu.wait_dma2 semaphore(%run_scoped3A : memref<!tpu.dma_semaphore, #tpu.memory_space<semaphore_mem>>) src(%dma_wait3A_34 : memref<520x128xf32, #tpu.memory_space<hbm>>) dst(%dma_wait3A_31 : memref<520x128xf32, #tpu.memory_space<vmem_shared>>)
        tpu.yield
      }) : () -> ()
    } else {
    }
    %barrier3A = arith.constant 0 : index
    tpu.barrier barrier_id(%barrier3A)
    %mul3A_7 = arith.constant 10240 : i32
    %mul3A_8 = arith.muli %add3A, %mul3A_7 : i32
    %scan3A = arith.constant 0 : i32
    %scan3A_9 = arith.constant 0 : i32
    %scan3A_10 = arith.constant 40 : i32
    %scan3A_11 = arith.addi %scan3A_9, %scan3A_10 : i32
    %scan3A_12 = arith.constant 1 : i32
    scf.for %scan3A_25 = %scan3A_9 to %scan3A_11 step %scan3A_12  : i32 {
      %mul3A_26 = arith.constant 2 : i32
      %mul3A_27 = arith.muli %scan3A_25, %mul3A_26 : i32
      %mul3A_28 = arith.constant 128 : i32
      %mul3A_29 = arith.muli %mul3A_27, %mul3A_28 : i32
      %add3A_30 = arith.addi %mul3A_8, %mul3A_29 : i32
      %add3A_31 = arith.constant 0 : i32
      %add3A_32 = arith.addi %add3A_30, %add3A_31 : i32
      "tpu.region"() ({
        %run_scoped3A = tpu.sem_alloc : memref<!tpu.dma_semaphore, #tpu.memory_space<semaphore_mem>>
        %dma_start3A_49 = tpu.memref_slice %arg3[%add3A_32] : memref<327680xi32, #tpu.memory_space<hbm>> -> memref<128xi32, #tpu.memory_space<hbm>>
        %dma_start3A_50 = tpu.memref_slice %arg3[%add3A_32] : memref<327680xi32, #tpu.memory_space<hbm>> -> memref<128xi32, #tpu.memory_space<hbm>>
        tpu.enqueue_dma source(%dma_start3A_50 : memref<128xi32, #tpu.memory_space<hbm>>) target(%arg8 : memref<128xi32, #tpu.memory_space<vmem>>) target_semaphore(%run_scoped3A : memref<!tpu.dma_semaphore, #tpu.memory_space<semaphore_mem>>)
        %dma_wait3A_51 = tpu.memref_slice %arg3[%add3A_32] : memref<327680xi32, #tpu.memory_space<hbm>> -> memref<128xi32, #tpu.memory_space<hbm>>
        %dma_wait3A_52 = tpu.memref_slice %arg3[%add3A_32] : memref<327680xi32, #tpu.memory_space<hbm>> -> memref<128xi32, #tpu.memory_space<hbm>>
        tpu.wait_dma2 semaphore(%run_scoped3A : memref<!tpu.dma_semaphore, #tpu.memory_space<semaphore_mem>>) src(%dma_wait3A_52 : memref<128xi32, #tpu.memory_space<hbm>>) dst(%arg8 : memref<128xi32, #tpu.memory_space<vmem>>)
        tpu.yield
      }) : () -> ()
      %add3A_33 = arith.constant 0 : i32
      %add3A_34 = arith.addi %add3A_30, %add3A_33 : i32
      "tpu.region"() ({
        %run_scoped3A = tpu.sem_alloc : memref<!tpu.dma_semaphore, #tpu.memory_space<semaphore_mem>>
        %dma_start3A_49 = tpu.memref_slice %arg4[%add3A_34] : memref<327680xi32, #tpu.memory_space<hbm>> -> memref<128xi32, #tpu.memory_space<hbm>>
        %dma_start3A_50 = tpu.memref_slice %arg4[%add3A_34] : memref<327680xi32, #tpu.memory_space<hbm>> -> memref<128xi32, #tpu.memory_space<hbm>>
        tpu.enqueue_dma source(%dma_start3A_50 : memref<128xi32, #tpu.memory_space<hbm>>) target(%arg10 : memref<128xi32, #tpu.memory_space<vmem>>) target_semaphore(%run_scoped3A : memref<!tpu.dma_semaphore, #tpu.memory_space<semaphore_mem>>)
        %dma_wait3A_51 = tpu.memref_slice %arg4[%add3A_34] : memref<327680xi32, #tpu.memory_space<hbm>> -> memref<128xi32, #tpu.memory_space<hbm>>
        %dma_wait3A_52 = tpu.memref_slice %arg4[%add3A_34] : memref<327680xi32, #tpu.memory_space<hbm>> -> memref<128xi32, #tpu.memory_space<hbm>>
        tpu.wait_dma2 semaphore(%run_scoped3A : memref<!tpu.dma_semaphore, #tpu.memory_space<semaphore_mem>>) src(%dma_wait3A_52 : memref<128xi32, #tpu.memory_space<hbm>>) dst(%arg10 : memref<128xi32, #tpu.memory_space<vmem>>)
        tpu.yield
      }) : () -> ()
      %dma_start3A = arith.constant 0 : i32
      %dma_start3A_35 = arith.constant 0 : i32
      %dma_start3A_36 = tpu.memref_slice %arg2[%dma_start3A, %dma_start3A_35] : memref<10000x128xf32, #tpu.memory_space<hbm>> -> memref<10000x128xf32, #tpu.memory_space<hbm>>
      tpu.enqueue_indirect_dma source(%dma_start3A_36 : memref<10000x128xf32, #tpu.memory_space<hbm>>) target(%arg12 : memref<128x128xf32, #tpu.memory_space<vmem>>) offsets(%arg8 : memref<128xi32, #tpu.memory_space<vmem>>) semaphore(%arg14 : memref<!tpu.dma_semaphore, #tpu.memory_space<semaphore_mem>>)
      %add3A_37 = arith.constant 128 : i32
      %add3A_38 = arith.addi %add3A_30, %add3A_37 : i32
      "tpu.region"() ({
        %run_scoped3A = tpu.sem_alloc : memref<!tpu.dma_semaphore, #tpu.memory_space<semaphore_mem>>
        %dma_start3A_49 = tpu.memref_slice %arg3[%add3A_38] : memref<327680xi32, #tpu.memory_space<hbm>> -> memref<128xi32, #tpu.memory_space<hbm>>
        %dma_start3A_50 = tpu.memref_slice %arg3[%add3A_38] : memref<327680xi32, #tpu.memory_space<hbm>> -> memref<128xi32, #tpu.memory_space<hbm>>
        tpu.enqueue_dma source(%dma_start3A_50 : memref<128xi32, #tpu.memory_space<hbm>>) target(%arg9 : memref<128xi32, #tpu.memory_space<vmem>>) target_semaphore(%run_scoped3A : memref<!tpu.dma_semaphore, #tpu.memory_space<semaphore_mem>>)
        %dma_wait3A_51 = tpu.memref_slice %arg3[%add3A_38] : memref<327680xi32, #tpu.memory_space<hbm>> -> memref<128xi32, #tpu.memory_space<hbm>>
        %dma_wait3A_52 = tpu.memref_slice %arg3[%add3A_38] : memref<327680xi32, #tpu.memory_space<hbm>> -> memref<128xi32, #tpu.memory_space<hbm>>
        tpu.wait_dma2 semaphore(%run_scoped3A : memref<!tpu.dma_semaphore, #tpu.memory_space<semaphore_mem>>) src(%dma_wait3A_52 : memref<128xi32, #tpu.memory_space<hbm>>) dst(%arg9 : memref<128xi32, #tpu.memory_space<vmem>>)
        tpu.yield
      }) : () -> ()
      %add3A_39 = arith.constant 128 : i32
      %add3A_40 = arith.addi %add3A_30, %add3A_39 : i32
      "tpu.region"() ({
        %run_scoped3A = tpu.sem_alloc : memref<!tpu.dma_semaphore, #tpu.memory_space<semaphore_mem>>
        %dma_start3A_49 = tpu.memref_slice %arg4[%add3A_40] : memref<327680xi32, #tpu.memory_space<hbm>> -> memref<128xi32, #tpu.memory_space<hbm>>
        %dma_start3A_50 = tpu.memref_slice %arg4[%add3A_40] : memref<327680xi32, #tpu.memory_space<hbm>> -> memref<128xi32, #tpu.memory_space<hbm>>
        tpu.enqueue_dma source(%dma_start3A_50 : memref<128xi32, #tpu.memory_space<hbm>>) target(%arg11 : memref<128xi32, #tpu.memory_space<vmem>>) target_semaphore(%run_scoped3A : memref<!tpu.dma_semaphore, #tpu.memory_space<semaphore_mem>>)
        %dma_wait3A_51 = tpu.memref_slice %arg4[%add3A_40] : memref<327680xi32, #tpu.memory_space<hbm>> -> memref<128xi32, #tpu.memory_space<hbm>>
        %dma_wait3A_52 = tpu.memref_slice %arg4[%add3A_40] : memref<327680xi32, #tpu.memory_space<hbm>> -> memref<128xi32, #tpu.memory_space<hbm>>
        tpu.wait_dma2 semaphore(%run_scoped3A : memref<!tpu.dma_semaphore, #tpu.memory_space<semaphore_mem>>) src(%dma_wait3A_52 : memref<128xi32, #tpu.memory_space<hbm>>) dst(%arg11 : memref<128xi32, #tpu.memory_space<vmem>>)
        tpu.yield
      }) : () -> ()
      %dma_start3A_41 = arith.constant 0 : i32
      %dma_start3A_42 = arith.constant 0 : i32
      %dma_start3A_43 = tpu.memref_slice %arg2[%dma_start3A_41, %dma_start3A_42] : memref<10000x128xf32, #tpu.memory_space<hbm>> -> memref<10000x128xf32, #tpu.memory_space<hbm>>
      tpu.enqueue_indirect_dma source(%dma_start3A_43 : memref<10000x128xf32, #tpu.memory_space<hbm>>) target(%arg13 : memref<128x128xf32, #tpu.memory_space<vmem>>) offsets(%arg9 : memref<128xi32, #tpu.memory_space<vmem>>) semaphore(%arg15 : memref<!tpu.dma_semaphore, #tpu.memory_space<semaphore_mem>>)
      %dma_wait3A = arith.constant 0 : i32
      %dma_wait3A_44 = arith.constant 0 : i32
      %dma_wait3A_45 = tpu.memref_slice %arg2[%dma_wait3A, %dma_wait3A_44] : memref<10000x128xf32, #tpu.memory_space<hbm>> -> memref<10000x128xf32, #tpu.memory_space<hbm>>
      tpu.wait_indirect_dma semaphore(%arg14 : memref<!tpu.dma_semaphore, #tpu.memory_space<semaphore_mem>>) src(%dma_wait3A_45 : memref<10000x128xf32, #tpu.memory_space<hbm>>) dst(%arg12 : memref<128x128xf32, #tpu.memory_space<vmem>>)
      "tpu.region"() ({
        %run_scoped3A = tpu.sem_alloc : memref<!tpu.dma_semaphore, #tpu.memory_space<semaphore_mem>>
        %dma_start3A_49 = arith.constant 0 : i32
        %dma_start3A_50 = arith.constant 0 : i32
        %dma_start3A_51 = tpu.memref_slice %arg7[%dma_start3A_49, %dma_start3A_50] : memref<10512x128xf32, #tpu.memory_space<vmem_shared>> -> memref<10512x128xf32, #tpu.memory_space<vmem_shared>>
        tpu.enqueue_indirect_dma source(%arg12 : memref<128x128xf32, #tpu.memory_space<vmem>>) target(%dma_start3A_51 : memref<10512x128xf32, #tpu.memory_space<vmem_shared>>) offsets(%arg10 : memref<128xi32, #tpu.memory_space<vmem>>) semaphore(%run_scoped3A : memref<!tpu.dma_semaphore, #tpu.memory_space<semaphore_mem>>) {add = true}
        %dma_wait3A_52 = arith.constant 0 : i32
        %dma_wait3A_53 = arith.constant 0 : i32
        %dma_wait3A_54 = tpu.memref_slice %arg7[%dma_wait3A_52, %dma_wait3A_53] : memref<10512x128xf32, #tpu.memory_space<vmem_shared>> -> memref<10512x128xf32, #tpu.memory_space<vmem_shared>>
        tpu.wait_indirect_dma semaphore(%run_scoped3A : memref<!tpu.dma_semaphore, #tpu.memory_space<semaphore_mem>>) src(%arg12 : memref<128x128xf32, #tpu.memory_space<vmem>>) dst(%dma_wait3A_54 : memref<10512x128xf32, #tpu.memory_space<vmem_shared>>)
        tpu.yield
      }) : () -> ()
      %dma_wait3A_46 = arith.constant 0 : i32
      %dma_wait3A_47 = arith.constant 0 : i32
      %dma_wait3A_48 = tpu.memref_slice %arg2[%dma_wait3A_46, %dma_wait3A_47] : memref<10000x128xf32, #tpu.memory_space<hbm>> -> memref<10000x128xf32, #tpu.memory_space<hbm>>
      tpu.wait_indirect_dma semaphore(%arg15 : memref<!tpu.dma_semaphore, #tpu.memory_space<semaphore_mem>>) src(%dma_wait3A_48 : memref<10000x128xf32, #tpu.memory_space<hbm>>) dst(%arg13 : memref<128x128xf32, #tpu.memory_space<vmem>>)
      "tpu.region"() ({
        %run_scoped3A = tpu.sem_alloc : memref<!tpu.dma_semaphore, #tpu.memory_space<semaphore_mem>>
        %dma_start3A_49 = arith.constant 0 : i32
        %dma_start3A_50 = arith.constant 0 : i32
        %dma_start3A_51 = tpu.memref_slice %arg7[%dma_start3A_49, %dma_start3A_50] : memref<10512x128xf32, #tpu.memory_space<vmem_shared>> -> memref<10512x128xf32, #tpu.memory_space<vmem_shared>>
        tpu.enqueue_indirect_dma source(%arg13 : memref<128x128xf32, #tpu.memory_space<vmem>>) target(%dma_start3A_51 : memref<10512x128xf32, #tpu.memory_space<vmem_shared>>) offsets(%arg11 : memref<128xi32, #tpu.memory_space<vmem>>) semaphore(%run_scoped3A : memref<!tpu.dma_semaphore, #tpu.memory_space<semaphore_mem>>) {add = true}
        %dma_wait3A_52 = arith.constant 0 : i32
        %dma_wait3A_53 = arith.constant 0 : i32
        %dma_wait3A_54 = tpu.memref_slice %arg7[%dma_wait3A_52, %dma_wait3A_53] : memref<10512x128xf32, #tpu.memory_space<vmem_shared>> -> memref<10512x128xf32, #tpu.memory_space<vmem_shared>>
        tpu.wait_indirect_dma semaphore(%run_scoped3A : memref<!tpu.dma_semaphore, #tpu.memory_space<semaphore_mem>>) src(%arg13 : memref<128x128xf32, #tpu.memory_space<vmem>>) dst(%dma_wait3A_54 : memref<10512x128xf32, #tpu.memory_space<vmem_shared>>)
        tpu.yield
      }) : () -> ()
    }
    %scan3A_13 = arith.constant 40 : i32
    %barrier3A_14 = arith.constant 0 : index
    tpu.barrier barrier_id(%barrier3A_14)
    %lt3A_15 = arith.constant 15 : i32
    %lt3A_16 = arith.cmpi slt, %arg1, %lt3A_15 : i32
    %convert_element_type3A_17 = arith.extui %lt3A_16 : i1 to i32
    %cond3A_18 = arith.constant 0 : i32
    %cond3A_19 = arith.cmpi ne, %convert_element_type3A_17, %cond3A_18 : i32
    scf.if %cond3A_19 {
      %mul3A_25 = arith.constant 632 : i32
      %mul3A_26 = arith.muli %arg1, %mul3A_25 : i32
      %mul3A_27 = arith.constant 632 : i32
      %mul3A_28 = arith.muli %arg1, %mul3A_27 : i32
      "tpu.region"() ({
        %run_scoped3A = tpu.sem_alloc : memref<!tpu.dma_semaphore, #tpu.memory_space<semaphore_mem>>
        %dma_start3A = arith.constant 0 : i32
        %dma_start3A_29 = tpu.memref_slice %arg6[%arg0, %mul3A_28, %dma_start3A] : memref<2x10000x128xf32, #tpu.memory_space<hbm>> -> memref<1x632x128xf32, #tpu.memory_space<hbm>>
        %dma_start3A_30 = tpu.memref_squeeze %dma_start3A_29 : memref<1x632x128xf32, #tpu.memory_space<hbm>> -> memref<632x128xf32, #tpu.memory_space<hbm>>
        %dma_start3A_31 = arith.constant 0 : i32
        %dma_start3A_32 = tpu.memref_slice %arg7[%mul3A_26, %dma_start3A_31] : memref<10512x128xf32, #tpu.memory_space<vmem_shared>> -> memref<632x128xf32, #tpu.memory_space<vmem_shared>>
        tpu.enqueue_dma source(%dma_start3A_32 : memref<632x128xf32, #tpu.memory_space<vmem_shared>>) target(%dma_start3A_30 : memref<632x128xf32, #tpu.memory_space<hbm>>) target_semaphore(%run_scoped3A : memref<!tpu.dma_semaphore, #tpu.memory_space<semaphore_mem>>)
        %dma_wait3A = arith.constant 0 : i32
        %dma_wait3A_33 = tpu.memref_slice %arg6[%arg0, %mul3A_28, %dma_wait3A] : memref<2x10000x128xf32, #tpu.memory_space<hbm>> -> memref<1x632x128xf32, #tpu.memory_space<hbm>>
        %dma_wait3A_34 = tpu.memref_squeeze %dma_wait3A_33 : memref<1x632x128xf32, #tpu.memory_space<hbm>> -> memref<632x128xf32, #tpu.memory_space<hbm>>
        %dma_wait3A_35 = arith.constant 0 : i32
        %dma_wait3A_36 = tpu.memref_slice %arg7[%mul3A_26, %dma_wait3A_35] : memref<10512x128xf32, #tpu.memory_space<vmem_shared>> -> memref<632x128xf32, #tpu.memory_space<vmem_shared>>
        tpu.wait_dma2 semaphore(%run_scoped3A : memref<!tpu.dma_semaphore, #tpu.memory_space<semaphore_mem>>) src(%dma_wait3A_36 : memref<632x128xf32, #tpu.memory_space<vmem_shared>>) dst(%dma_wait3A_34 : memref<632x128xf32, #tpu.memory_space<hbm>>)
        tpu.yield
      }) : () -> ()
    } else {
    }
    %eq3A_20 = arith.constant 15 : i32
    %eq3A_21 = arith.cmpi eq, %arg1, %eq3A_20 : i32
    %convert_element_type3A_22 = arith.extui %eq3A_21 : i1 to i32
    %cond3A_23 = arith.constant 0 : i32
    %cond3A_24 = arith.cmpi ne, %convert_element_type3A_22, %cond3A_23 : i32
    scf.if %cond3A_24 {
      "tpu.region"() ({
        %run_scoped3A = tpu.sem_alloc : memref<!tpu.dma_semaphore, #tpu.memory_space<semaphore_mem>>
        %dma_start3A = arith.constant 9480 : i32
        %dma_start3A_25 = arith.constant 0 : i32
        %dma_start3A_26 = tpu.memref_slice %arg6[%arg0, %dma_start3A, %dma_start3A_25] : memref<2x10000x128xf32, #tpu.memory_space<hbm>> -> memref<1x520x128xf32, #tpu.memory_space<hbm>>
        %dma_start3A_27 = tpu.memref_squeeze %dma_start3A_26 : memref<1x520x128xf32, #tpu.memory_space<hbm>> -> memref<520x128xf32, #tpu.memory_space<hbm>>
        %dma_start3A_28 = arith.constant 9480 : i32
        %dma_start3A_29 = arith.constant 0 : i32
        %dma_start3A_30 = tpu.memref_slice %arg7[%dma_start3A_28, %dma_start3A_29] : memref<10512x128xf32, #tpu.memory_space<vmem_shared>> -> memref<520x128xf32, #tpu.memory_space<vmem_shared>>
        tpu.enqueue_dma source(%dma_start3A_30 : memref<520x128xf32, #tpu.memory_space<vmem_shared>>) target(%dma_start3A_27 : memref<520x128xf32, #tpu.memory_space<hbm>>) target_semaphore(%run_scoped3A : memref<!tpu.dma_semaphore, #tpu.memory_space<semaphore_mem>>)
        %dma_wait3A = arith.constant 9480 : i32
        %dma_wait3A_31 = arith.constant 0 : i32
        %dma_wait3A_32 = tpu.memref_slice %arg6[%arg0, %dma_wait3A, %dma_wait3A_31] : memref<2x10000x128xf32, #tpu.memory_space<hbm>> -> memref<1x520x128xf32, #tpu.memory_space<hbm>>
        %dma_wait3A_33 = tpu.memref_squeeze %dma_wait3A_32 : memref<1x520x128xf32, #tpu.memory_space<hbm>> -> memref<520x128xf32, #tpu.memory_space<hbm>>
        %dma_wait3A_34 = arith.constant 9480 : i32
        %dma_wait3A_35 = arith.constant 0 : i32
        %dma_wait3A_36 = tpu.memref_slice %arg7[%dma_wait3A_34, %dma_wait3A_35] : memref<10512x128xf32, #tpu.memory_space<vmem_shared>> -> memref<520x128xf32, #tpu.memory_space<vmem_shared>>
        tpu.wait_dma2 semaphore(%run_scoped3A : memref<!tpu.dma_semaphore, #tpu.memory_space<semaphore_mem>>) src(%dma_wait3A_36 : memref<520x128xf32, #tpu.memory_space<vmem_shared>>) dst(%dma_wait3A_33 : memref<520x128xf32, #tpu.memory_space<hbm>>)
        tpu.yield
      }) : () -> ()
    } else {
    }
    return
  }
}

module attributes {stable_mosaic.version = 14 : i64} {
  func.func @_tc_g1_body(%arg0: i32, %arg1: memref<2000x1xf32, #tpu.memory_space<vmem>>, %arg2: memref<2000x1xf32, #tpu.memory_space<vmem>>, %arg3: memref<2000x128xf32, #tpu.memory_space<vmem>>, %arg4: memref<128x128xf32, #tpu.memory_space<vmem>>, %arg5: memref<2000x128xf32, #tpu.memory_space<vmem>>) attributes {dimension_semantics = [#tpu.dimension_semantics<arbitrary>], iteration_bounds = array<i64: 5>, scalar_prefetch = 0 : i64, scratch_operands = 0 : i64, tpu.core_type = #tpu.core_type<tc>, window_params = [{transform_indices = @transform_0, window_bounds = array<i64: 2000, 1>}, {transform_indices = @transform_1, window_bounds = array<i64: 2000, 1>}, {transform_indices = @transform_2, window_bounds = array<i64: 2000, 128>}, {pipeline_mode = #tpu.pipeline_mode<synchronous>, transform_indices = @transform_3, window_bounds = array<i64: 128, 128>}, {transform_indices = @transform_4, window_bounds = array<i64: 2000, 128>}]} {
    %get3A = arith.constant 0 : index
    %get3A_0 = arith.constant 0 : index
    %get3A_1 = vector.load %arg1[%get3A, %get3A_0] : memref<2000x1xf32, #tpu.memory_space<vmem>>, vector<2000x1xf32>
    %get3A_2 = arith.constant 0 : index
    %get3A_3 = arith.constant 0 : index
    %get3A_4 = vector.load %arg2[%get3A_2, %get3A_3] : memref<2000x1xf32, #tpu.memory_space<vmem>>, vector<2000x1xf32>
    %add3A = arith.addf %get3A_1, %get3A_4 : vector<2000x1xf32>
    %add3A_5 = arith.constant 1.000000e+00 : f32
    %add3A_6 = vector.broadcast %add3A_5 : f32 to vector<2000x1xf32>
    %add3A_7 = arith.addf %add3A, %add3A_6 : vector<2000x1xf32>
    %rsqrt3A = math.rsqrt %add3A_7 : vector<2000x1xf32>
    %get3A_8 = arith.constant 0 : index
    %get3A_9 = arith.constant 0 : index
    %get3A_10 = vector.load %arg3[%get3A_8, %get3A_9] : memref<2000x128xf32, #tpu.memory_space<vmem>>, vector<2000x128xf32>
    %get3A_11 = arith.constant 0 : index
    %get3A_12 = arith.constant 0 : index
    %get3A_13 = vector.load %arg4[%get3A_11, %get3A_12] : memref<128x128xf32, #tpu.memory_space<vmem>>, vector<128x128xf32>
    %dot_general3A = arith.constant dense<0.000000e+00> : vector<2000x128xf32>
    %dot_general3A_14 = tpu.matmul %get3A_10, %get3A_13, %dot_general3A {dimension_numbers = #tpu.dot_dimension_numbers<[1], [0], [0], [1], [0, 0, 1, 1], [], []>, transpose_lhs_hint = false} : vector<2000x128xf32>, vector<128x128xf32>, vector<2000x128xf32> -> vector<2000x128xf32>
    %mul3A = vector.broadcast %rsqrt3A : vector<2000x1xf32> to vector<2000x128xf32>
    %mul3A_15 = arith.mulf %dot_general3A_14, %mul3A : vector<2000x128xf32>
    %swap3A = arith.constant 0 : index
    %swap3A_16 = arith.constant 0 : index
    %swap3A_17 = vector.load %arg5[%swap3A, %swap3A_16] : memref<2000x128xf32, #tpu.memory_space<vmem>>, vector<2000x128xf32>
    tpu.vector_store %arg5[%swap3A, %swap3A_16], %mul3A_15 {strides = array<i32>} : memref<2000x128xf32, #tpu.memory_space<vmem>>, vector<2000x128xf32>,
    return
  }
  func.func @transform_0(%arg0: i32) -> (i32, i32) {
    %c0_i32 = arith.constant 0 : i32
    %c0_i32_0 = arith.constant 0 : i32
    return %arg0, %c0_i32 : i32, i32
  }
  func.func @transform_1(%arg0: i32) -> (i32, i32) {
    %c0_i32 = arith.constant 0 : i32
    %c0_i32_0 = arith.constant 0 : i32
    return %arg0, %c0_i32 : i32, i32
  }
  func.func @transform_2(%arg0: i32) -> (i32, i32) {
    %c0_i32 = arith.constant 0 : i32
    %c0_i32_0 = arith.constant 0 : i32
    return %arg0, %c0_i32 : i32, i32
  }
  func.func @transform_3(%arg0: i32) -> (i32, i32) {
    %c0_i32 = arith.constant 0 : i32
    %c0_i32_0 = arith.constant 0 : i32
    %c0_i32_1 = arith.constant 0 : i32
    return %c0_i32, %c0_i32_0 : i32, i32
  }
  func.func @transform_4(%arg0: i32) -> (i32, i32) {
    %c0_i32 = arith.constant 0 : i32
    %c0_i32_0 = arith.constant 0 : i32
    return %arg0, %c0_i32 : i32, i32
  }
}

module attributes {stable_mosaic.version = 14 : i64} {
  func.func @_tc_layer2_body(%arg0: i32, %arg1: memref<2000x1xf32, #tpu.memory_space<vmem>>, %arg2: memref<2000x1xf32, #tpu.memory_space<vmem>>, %arg3: memref<2x2000x128xf32, #tpu.memory_space<vmem>>, %arg4: memref<2000x128xf32, #tpu.memory_space<vmem>>, %arg5: memref<1x128xf32, #tpu.memory_space<vmem>>, %arg6: memref<128x128xf32, #tpu.memory_space<vmem>>, %arg7: memref<2000x128xf32, #tpu.memory_space<vmem>>) attributes {dimension_semantics = [#tpu.dimension_semantics<arbitrary>], iteration_bounds = array<i64: 5>, scalar_prefetch = 0 : i64, scratch_operands = 0 : i64, tpu.core_type = #tpu.core_type<tc>, window_params = [{transform_indices = @transform_0, window_bounds = array<i64: 2000, 1>}, {transform_indices = @transform_1, window_bounds = array<i64: 2000, 1>}, {transform_indices = @transform_2, window_bounds = array<i64: 2, 2000, 128>}, {transform_indices = @transform_3, window_bounds = array<i64: 2000, 128>}, {pipeline_mode = #tpu.pipeline_mode<synchronous>, transform_indices = @transform_4, window_bounds = array<i64: 1, 128>}, {pipeline_mode = #tpu.pipeline_mode<synchronous>, transform_indices = @transform_5, window_bounds = array<i64: 128, 128>}, {transform_indices = @transform_6, window_bounds = array<i64: 2000, 128>}]} {
    %get3A = arith.constant 0 : index
    %get3A_0 = arith.constant 0 : index
    %get3A_1 = vector.load %arg1[%get3A, %get3A_0] : memref<2000x1xf32, #tpu.memory_space<vmem>>, vector<2000x1xf32>
    %get3A_2 = arith.constant 0 : index
    %get3A_3 = arith.constant 0 : index
    %get3A_4 = vector.load %arg2[%get3A_2, %get3A_3] : memref<2000x1xf32, #tpu.memory_space<vmem>>, vector<2000x1xf32>
    %add3A = arith.addf %get3A_1, %get3A_4 : vector<2000x1xf32>
    %add3A_5 = arith.constant 1.000000e+00 : f32
    %add3A_6 = vector.broadcast %add3A_5 : f32 to vector<2000x1xf32>
    %add3A_7 = arith.addf %add3A, %add3A_6 : vector<2000x1xf32>
    %rsqrt3A = math.rsqrt %add3A_7 : vector<2000x1xf32>
    %get3A_8 = arith.constant 0 : index
    %get3A_9 = arith.constant 0 : index
    %get3A_10 = arith.constant 0 : index
    %get3A_11 = vector.load %arg3[%get3A_8, %get3A_9, %get3A_10] : memref<2x2000x128xf32, #tpu.memory_space<vmem>>, vector<1x2000x128xf32>
    %get3A_12 = vector.shape_cast %get3A_11 : vector<1x2000x128xf32> to vector<2000x128xf32>
    %get3A_13 = arith.constant 1 : index
    %get3A_14 = arith.constant 0 : index
    %get3A_15 = arith.constant 0 : index
    %get3A_16 = vector.load %arg3[%get3A_13, %get3A_14, %get3A_15] : memref<2x2000x128xf32, #tpu.memory_space<vmem>>, vector<1x2000x128xf32>
    %get3A_17 = vector.shape_cast %get3A_16 : vector<1x2000x128xf32> to vector<2000x128xf32>
    %add3A_18 = arith.addf %get3A_12, %get3A_17 : vector<2000x128xf32>
    %get3A_19 = arith.constant 0 : index
    %get3A_20 = arith.constant 0 : index
    %get3A_21 = vector.load %arg4[%get3A_19, %get3A_20] : memref<2000x128xf32, #tpu.memory_space<vmem>>, vector<2000x128xf32>
    %add3A_22 = arith.addf %add3A_18, %get3A_21 : vector<2000x128xf32>
    %mul3A = vector.broadcast %rsqrt3A : vector<2000x1xf32> to vector<2000x128xf32>
    %mul3A_23 = arith.mulf %add3A_22, %mul3A : vector<2000x128xf32>
    %get3A_24 = arith.constant 0 : index
    %get3A_25 = arith.constant 0 : index
    %get3A_26 = vector.load %arg5[%get3A_24, %get3A_25] : memref<1x128xf32, #tpu.memory_space<vmem>>, vector<1x128xf32>
    %add3A_27 = vector.broadcast %get3A_26 : vector<1x128xf32> to vector<2000x128xf32>
    %add3A_28 = arith.addf %mul3A_23, %add3A_27 : vector<2000x128xf32>
    %max3A = arith.constant 0.000000e+00 : f32
    %max3A_29 = vector.broadcast %max3A : f32 to vector<2000x128xf32>
    %max3A_30 = arith.maximumf %add3A_28, %max3A_29 : vector<2000x128xf32>
    %get3A_31 = arith.constant 0 : index
    %get3A_32 = arith.constant 0 : index
    %get3A_33 = vector.load %arg6[%get3A_31, %get3A_32] : memref<128x128xf32, #tpu.memory_space<vmem>>, vector<128x128xf32>
    %dot_general3A = arith.constant dense<0.000000e+00> : vector<2000x128xf32>
    %dot_general3A_34 = tpu.matmul %max3A_30, %get3A_33, %dot_general3A {dimension_numbers = #tpu.dot_dimension_numbers<[1], [0], [0], [1], [0, 0, 1, 1], [], []>, transpose_lhs_hint = false} : vector<2000x128xf32>, vector<128x128xf32>, vector<2000x128xf32> -> vector<2000x128xf32>
    %mul3A_35 = vector.broadcast %rsqrt3A : vector<2000x1xf32> to vector<2000x128xf32>
    %mul3A_36 = arith.mulf %dot_general3A_34, %mul3A_35 : vector<2000x128xf32>
    %swap3A = arith.constant 0 : index
    %swap3A_37 = arith.constant 0 : index
    %swap3A_38 = vector.load %arg7[%swap3A, %swap3A_37] : memref<2000x128xf32, #tpu.memory_space<vmem>>, vector<2000x128xf32>
    tpu.vector_store %arg7[%swap3A, %swap3A_37], %mul3A_36 {strides = array<i32>} : memref<2000x128xf32, #tpu.memory_space<vmem>>, vector<2000x128xf32>,
    return
  }
  func.func @transform_0(%arg0: i32) -> (i32, i32) {
    %c0_i32 = arith.constant 0 : i32
    %c0_i32_0 = arith.constant 0 : i32
    return %arg0, %c0_i32 : i32, i32
  }
  func.func @transform_1(%arg0: i32) -> (i32, i32) {
    %c0_i32 = arith.constant 0 : i32
    %c0_i32_0 = arith.constant 0 : i32
    return %arg0, %c0_i32 : i32, i32
  }
  func.func @transform_2(%arg0: i32) -> (i32, i32, i32) {
    %c0_i32 = arith.constant 0 : i32
    %c0_i32_0 = arith.constant 0 : i32
    %c0_i32_1 = arith.constant 0 : i32
    return %c0_i32, %arg0, %c0_i32_0 : i32, i32, i32
  }
  func.func @transform_3(%arg0: i32) -> (i32, i32) {
    %c0_i32 = arith.constant 0 : i32
    %c0_i32_0 = arith.constant 0 : i32
    return %arg0, %c0_i32 : i32, i32
  }
  func.func @transform_4(%arg0: i32) -> (i32, i32) {
    %c0_i32 = arith.constant 0 : i32
    %c0_i32_0 = arith.constant 0 : i32
    %c0_i32_1 = arith.constant 0 : i32
    return %c0_i32, %c0_i32_0 : i32, i32
  }
  func.func @transform_5(%arg0: i32) -> (i32, i32) {
    %c0_i32 = arith.constant 0 : i32
    %c0_i32_0 = arith.constant 0 : i32
    %c0_i32_1 = arith.constant 0 : i32
    return %c0_i32, %c0_i32_0 : i32, i32
  }
  func.func @transform_6(%arg0: i32) -> (i32, i32) {
    %c0_i32 = arith.constant 0 : i32
    %c0_i32_0 = arith.constant 0 : i32
    return %arg0, %c0_i32 : i32, i32
  }
}

module attributes {stable_mosaic.version = 14 : i64} {
  func.func @_tc_uv_body(%arg0: i32, %arg1: memref<2000x1xf32, #tpu.memory_space<vmem>>, %arg2: memref<2000x1xf32, #tpu.memory_space<vmem>>, %arg3: memref<2x2000x128xf32, #tpu.memory_space<vmem>>, %arg4: memref<2000x128xf32, #tpu.memory_space<vmem>>, %arg5: memref<1x128xf32, #tpu.memory_space<vmem>>, %arg6: memref<128x128xf32, #tpu.memory_space<vmem>>, %arg7: memref<128x128xf32, #tpu.memory_space<vmem>>, %arg8: memref<2000x128xf32, #tpu.memory_space<vmem>>, %arg9: memref<2000x128xf32, #tpu.memory_space<vmem>>) attributes {dimension_semantics = [#tpu.dimension_semantics<arbitrary>], iteration_bounds = array<i64: 5>, scalar_prefetch = 0 : i64, scratch_operands = 0 : i64, tpu.core_type = #tpu.core_type<tc>, window_params = [{transform_indices = @transform_0, window_bounds = array<i64: 2000, 1>}, {transform_indices = @transform_1, window_bounds = array<i64: 2000, 1>}, {transform_indices = @transform_2, window_bounds = array<i64: 2, 2000, 128>}, {transform_indices = @transform_3, window_bounds = array<i64: 2000, 128>}, {pipeline_mode = #tpu.pipeline_mode<synchronous>, transform_indices = @transform_4, window_bounds = array<i64: 1, 128>}, {pipeline_mode = #tpu.pipeline_mode<synchronous>, transform_indices = @transform_5, window_bounds = array<i64: 128, 128>}, {pipeline_mode = #tpu.pipeline_mode<synchronous>, transform_indices = @transform_6, window_bounds = array<i64: 128, 128>}, {transform_indices = @transform_7, window_bounds = array<i64: 2000, 128>}, {transform_indices = @transform_8, window_bounds = array<i64: 2000, 128>}]} {
    %get3A = arith.constant 0 : index
    %get3A_0 = arith.constant 0 : index
    %get3A_1 = vector.load %arg1[%get3A, %get3A_0] : memref<2000x1xf32, #tpu.memory_space<vmem>>, vector<2000x1xf32>
    %get3A_2 = arith.constant 0 : index
    %get3A_3 = arith.constant 0 : index
    %get3A_4 = vector.load %arg2[%get3A_2, %get3A_3] : memref<2000x1xf32, #tpu.memory_space<vmem>>, vector<2000x1xf32>
    %add3A = arith.addf %get3A_1, %get3A_4 : vector<2000x1xf32>
    %add3A_5 = arith.constant 1.000000e+00 : f32
    %add3A_6 = vector.broadcast %add3A_5 : f32 to vector<2000x1xf32>
    %add3A_7 = arith.addf %add3A, %add3A_6 : vector<2000x1xf32>
    %rsqrt3A = math.rsqrt %add3A_7 : vector<2000x1xf32>
    %get3A_8 = arith.constant 0 : index
    %get3A_9 = arith.constant 0 : index
    %get3A_10 = arith.constant 0 : index
    %get3A_11 = vector.load %arg3[%get3A_8, %get3A_9, %get3A_10] : memref<2x2000x128xf32, #tpu.memory_space<vmem>>, vector<1x2000x128xf32>
    %get3A_12 = vector.shape_cast %get3A_11 : vector<1x2000x128xf32> to vector<2000x128xf32>
    %get3A_13 = arith.constant 1 : index
    %get3A_14 = arith.constant 0 : index
    %get3A_15 = arith.constant 0 : index
    %get3A_16 = vector.load %arg3[%get3A_13, %get3A_14, %get3A_15] : memref<2x2000x128xf32, #tpu.memory_space<vmem>>, vector<1x2000x128xf32>
    %get3A_17 = vector.shape_cast %get3A_16 : vector<1x2000x128xf32> to vector<2000x128xf32>
    %add3A_18 = arith.addf %get3A_12, %get3A_17 : vector<2000x128xf32>
    %get3A_19 = arith.constant 0 : index
    %get3A_20 = arith.constant 0 : index
    %get3A_21 = vector.load %arg4[%get3A_19, %get3A_20] : memref<2000x128xf32, #tpu.memory_space<vmem>>, vector<2000x128xf32>
    %add3A_22 = arith.addf %add3A_18, %get3A_21 : vector<2000x128xf32>
    %mul3A = vector.broadcast %rsqrt3A : vector<2000x1xf32> to vector<2000x128xf32>
    %mul3A_23 = arith.mulf %add3A_22, %mul3A : vector<2000x128xf32>
    %get3A_24 = arith.constant 0 : index
    %get3A_25 = arith.constant 0 : index
    %get3A_26 = vector.load %arg5[%get3A_24, %get3A_25] : memref<1x128xf32, #tpu.memory_space<vmem>>, vector<1x128xf32>
    %add3A_27 = vector.broadcast %get3A_26 : vector<1x128xf32> to vector<2000x128xf32>
    %add3A_28 = arith.addf %mul3A_23, %add3A_27 : vector<2000x128xf32>
    %get3A_29 = arith.constant 0 : index
    %get3A_30 = arith.constant 0 : index
    %get3A_31 = vector.load %arg6[%get3A_29, %get3A_30] : memref<128x128xf32, #tpu.memory_space<vmem>>, vector<128x128xf32>
    %dot_general3A = arith.constant dense<0.000000e+00> : vector<2000x128xf32>
    %dot_general3A_32 = tpu.matmul %add3A_28, %get3A_31, %dot_general3A {dimension_numbers = #tpu.dot_dimension_numbers<[1], [0], [0], [1], [0, 0, 1, 1], [], []>, transpose_lhs_hint = false} : vector<2000x128xf32>, vector<128x128xf32>, vector<2000x128xf32> -> vector<2000x128xf32>
    %swap3A = arith.constant 0 : index
    %swap3A_33 = arith.constant 0 : index
    %swap3A_34 = vector.load %arg8[%swap3A, %swap3A_33] : memref<2000x128xf32, #tpu.memory_space<vmem>>, vector<2000x128xf32>
    tpu.vector_store %arg8[%swap3A, %swap3A_33], %dot_general3A_32 {strides = array<i32>} : memref<2000x128xf32, #tpu.memory_space<vmem>>, vector<2000x128xf32>,
    %get3A_35 = arith.constant 0 : index
    %get3A_36 = arith.constant 0 : index
    %get3A_37 = vector.load %arg7[%get3A_35, %get3A_36] : memref<128x128xf32, #tpu.memory_space<vmem>>, vector<128x128xf32>
    %dot_general3A_38 = arith.constant dense<0.000000e+00> : vector<2000x128xf32>
    %dot_general3A_39 = tpu.matmul %add3A_28, %get3A_37, %dot_general3A_38 {dimension_numbers = #tpu.dot_dimension_numbers<[1], [0], [0], [1], [0, 0, 1, 1], [], []>, transpose_lhs_hint = false} : vector<2000x128xf32>, vector<128x128xf32>, vector<2000x128xf32> -> vector<2000x128xf32>
    %swap3A_40 = arith.constant 0 : index
    %swap3A_41 = arith.constant 0 : index
    %swap3A_42 = vector.load %arg9[%swap3A_40, %swap3A_41] : memref<2000x128xf32, #tpu.memory_space<vmem>>, vector<2000x128xf32>
    tpu.vector_store %arg9[%swap3A_40, %swap3A_41], %dot_general3A_39 {strides = array<i32>} : memref<2000x128xf32, #tpu.memory_space<vmem>>, vector<2000x128xf32>,
    return
  }
  func.func @transform_0(%arg0: i32) -> (i32, i32) {
    %c0_i32 = arith.constant 0 : i32
    %c0_i32_0 = arith.constant 0 : i32
    return %arg0, %c0_i32 : i32, i32
  }
  func.func @transform_1(%arg0: i32) -> (i32, i32) {
    %c0_i32 = arith.constant 0 : i32
    %c0_i32_0 = arith.constant 0 : i32
    return %arg0, %c0_i32 : i32, i32
  }
  func.func @transform_2(%arg0: i32) -> (i32, i32, i32) {
    %c0_i32 = arith.constant 0 : i32
    %c0_i32_0 = arith.constant 0 : i32
    %c0_i32_1 = arith.constant 0 : i32
    return %c0_i32, %arg0, %c0_i32_0 : i32, i32, i32
  }
  func.func @transform_3(%arg0: i32) -> (i32, i32) {
    %c0_i32 = arith.constant 0 : i32
    %c0_i32_0 = arith.constant 0 : i32
    return %arg0, %c0_i32 : i32, i32
  }
  func.func @transform_4(%arg0: i32) -> (i32, i32) {
    %c0_i32 = arith.constant 0 : i32
    %c0_i32_0 = arith.constant 0 : i32
    %c0_i32_1 = arith.constant 0 : i32
    return %c0_i32, %c0_i32_0 : i32, i32
  }
  func.func @transform_5(%arg0: i32) -> (i32, i32) {
    %c0_i32 = arith.constant 0 : i32
    %c0_i32_0 = arith.constant 0 : i32
    %c0_i32_1 = arith.constant 0 : i32
    return %c0_i32, %c0_i32_0 : i32, i32
  }
  func.func @transform_6(%arg0: i32) -> (i32, i32) {
    %c0_i32 = arith.constant 0 : i32
    %c0_i32_0 = arith.constant 0 : i32
    %c0_i32_1 = arith.constant 0 : i32
    return %c0_i32, %c0_i32_0 : i32, i32
  }
  func.func @transform_7(%arg0: i32) -> (i32, i32) {
    %c0_i32 = arith.constant 0 : i32
    %c0_i32_0 = arith.constant 0 : i32
    return %arg0, %c0_i32 : i32, i32
  }
  func.func @transform_8(%arg0: i32) -> (i32, i32) {
    %c0_i32 = arith.constant 0 : i32
    %c0_i32_0 = arith.constant 0 : i32
    return %arg0, %c0_i32 : i32, i32
  }
}

module attributes {stable_mosaic.version = 14 : i64} {
  func.func @_tc_head_body(%arg0: i32, %arg1: memref<4096x128xf32, #tpu.memory_space<vmem>>, %arg2: memref<4096x128xf32, #tpu.memory_space<vmem>>, %arg3: memref<1x128xf32, #tpu.memory_space<vmem>>, %arg4: memref<128x86xf32, #tpu.memory_space<vmem>>, %arg5: memref<1x86xf32, #tpu.memory_space<vmem>>, %arg6: memref<4096x86xf32, #tpu.memory_space<vmem>>) attributes {dimension_semantics = [#tpu.dimension_semantics<arbitrary>], iteration_bounds = array<i64: 10>, scalar_prefetch = 0 : i64, scratch_operands = 0 : i64, tpu.core_type = #tpu.core_type<tc>, window_params = [{transform_indices = @transform_0, window_bounds = array<i64: 4096, 128>}, {transform_indices = @transform_1, window_bounds = array<i64: 4096, 128>}, {pipeline_mode = #tpu.pipeline_mode<synchronous>, transform_indices = @transform_2, window_bounds = array<i64: 1, 128>}, {pipeline_mode = #tpu.pipeline_mode<synchronous>, transform_indices = @transform_3, window_bounds = array<i64: 128, 86>}, {pipeline_mode = #tpu.pipeline_mode<synchronous>, transform_indices = @transform_4, window_bounds = array<i64: 1, 86>}, {transform_indices = @transform_5, window_bounds = array<i64: 4096, 86>}]} {
    %get3A = arith.constant 0 : index
    %get3A_0 = arith.constant 0 : index
    %get3A_1 = vector.load %arg1[%get3A, %get3A_0] : memref<4096x128xf32, #tpu.memory_space<vmem>>, vector<4096x128xf32>
    %get3A_2 = arith.constant 0 : index
    %get3A_3 = arith.constant 0 : index
    %get3A_4 = vector.load %arg2[%get3A_2, %get3A_3] : memref<4096x128xf32, #tpu.memory_space<vmem>>, vector<4096x128xf32>
    %add3A = arith.addf %get3A_1, %get3A_4 : vector<4096x128xf32>
    %get3A_5 = arith.constant 0 : index
    %get3A_6 = arith.constant 0 : index
    %get3A_7 = vector.load %arg3[%get3A_5, %get3A_6] : memref<1x128xf32, #tpu.memory_space<vmem>>, vector<1x128xf32>
    %add3A_8 = vector.broadcast %get3A_7 : vector<1x128xf32> to vector<4096x128xf32>
    %add3A_9 = arith.addf %add3A, %add3A_8 : vector<4096x128xf32>
    %max3A = arith.constant 0.000000e+00 : f32
    %max3A_10 = vector.broadcast %max3A : f32 to vector<4096x128xf32>
    %max3A_11 = arith.maximumf %add3A_9, %max3A_10 : vector<4096x128xf32>
    %get3A_12 = arith.constant 0 : index
    %get3A_13 = arith.constant 0 : index
    %get3A_14 = vector.load %arg4[%get3A_12, %get3A_13] : memref<128x86xf32, #tpu.memory_space<vmem>>, vector<128x86xf32>
    %dot_general3A = arith.constant dense<0.000000e+00> : vector<4096x86xf32>
    %dot_general3A_15 = tpu.matmul %max3A_11, %get3A_14, %dot_general3A {dimension_numbers = #tpu.dot_dimension_numbers<[1], [0], [0], [1], [0, 0, 1, 1], [], []>, transpose_lhs_hint = false} : vector<4096x128xf32>, vector<128x86xf32>, vector<4096x86xf32> -> vector<4096x86xf32>
    %get3A_16 = arith.constant 0 : index
    %get3A_17 = arith.constant 0 : index
    %get3A_18 = vector.load %arg5[%get3A_16, %get3A_17] : memref<1x86xf32, #tpu.memory_space<vmem>>, vector<1x86xf32>
    %add3A_19 = vector.broadcast %get3A_18 : vector<1x86xf32> to vector<4096x86xf32>
    %add3A_20 = arith.addf %dot_general3A_15, %add3A_19 : vector<4096x86xf32>
    %swap3A = arith.constant 0 : index
    %swap3A_21 = arith.constant 0 : index
    %swap3A_22 = vector.load %arg6[%swap3A, %swap3A_21] : memref<4096x86xf32, #tpu.memory_space<vmem>>, vector<4096x86xf32>
    tpu.vector_store %arg6[%swap3A, %swap3A_21], %add3A_20 {strides = array<i32>} : memref<4096x86xf32, #tpu.memory_space<vmem>>, vector<4096x86xf32>,
    return
  }
  func.func @transform_0(%arg0: i32) -> (i32, i32) {
    %c0_i32 = arith.constant 0 : i32
    %c0_i32_0 = arith.constant 0 : i32
    return %arg0, %c0_i32 : i32, i32
  }
  func.func @transform_1(%arg0: i32) -> (i32, i32) {
    %c0_i32 = arith.constant 0 : i32
    %c0_i32_0 = arith.constant 0 : i32
    return %arg0, %c0_i32 : i32, i32
  }
  func.func @transform_2(%arg0: i32) -> (i32, i32) {
    %c0_i32 = arith.constant 0 : i32
    %c0_i32_0 = arith.constant 0 : i32
    %c0_i32_1 = arith.constant 0 : i32
    return %c0_i32, %c0_i32_0 : i32, i32
  }
  func.func @transform_3(%arg0: i32) -> (i32, i32) {
    %c0_i32 = arith.constant 0 : i32
    %c0_i32_0 = arith.constant 0 : i32
    %c0_i32_1 = arith.constant 0 : i32
    return %c0_i32, %c0_i32_0 : i32, i32
  }
  func.func @transform_4(%arg0: i32) -> (i32, i32) {
    %c0_i32 = arith.constant 0 : i32
    %c0_i32_0 = arith.constant 0 : i32
    %c0_i32_1 = arith.constant 0 : i32
    return %c0_i32, %c0_i32_0 : i32, i32
  }
  func.func @transform_5(%arg0: i32) -> (i32, i32) {
    %c0_i32 = arith.constant 0 : i32
    %c0_i32_0 = arith.constant 0 : i32
    return %arg0, %c0_i32 : i32, i32
  }
}

</mosaic_0001>

<sc_bundles>
// kernel: kernel.10.cloned.1.call-start
scs
__scs_entry_jumppad:
0x0: {  	(pc) =	sbr.rel $0x88, $3  }
0x1: {  	(tag) =	ssettag $0x0;
	lr =	simm.s32 $0x1  }
0x2: {  	[smem:$0x3F96] =	sst lr;
	_ =	strace $0xD0000000  }
0x3: {  	_ = 	snop  }
0x4: {  	_ = 	snop  }
0x5: {  	_ = 	snop  }
0x6: {  	_ = 	snop  }
0x7: {  	_ = 	snop  }
__scs_overlays_trampoline_lowered:
0x8: {  	[smem:$0x3FA5] =	sst s0  }
0x9: {  	[smem:$0x3FA6] =	sst s1  }
0xa: {  	[smem:$0x3FA7] =	sst s2  }
0xb: {  	[smem:$0x3FA8] =	sst s3  }
0xc: {  	[smem:$0x3FA9] =	sst s4  }
0xd: {  	[smem:$0x3FAA] =	sst s5  }
0xe: {  	[smem:$0x3FAB] =	sst s6  }
0xf: {  	[smem:$0x3FAC] =	sst s7  }
0x10: {  	[smem:$0x3FAD] =	sst s8  }
0x11: {  	[smem:$0x3FAE] =	sst s9;
	s0 =	simm.s32 @!p0 $0x0  }
0x12: {  	s1 =	sld [smem:$0x3F94];
	s0 =	simm.s32 @p0 $0x1  }
0x13: {  	[smem:$0x3FAF] =	sst s0;
	s0 =	simm.s32 @!p1 $0x0  }
0x14: {  	s2 =	sld [smem:$0x3F93];
	s0 =	simm.s32 @p1 $0x1  }
0x15: {  	[smem:$0x3FB0] =	sst s0;
	s0 =	simm.s32 @!p2 $0x0  }
0x16: {  	s3 =	sld [smem:$0x3FDB];
	s0 =	simm.s32 @p2 $0x1  }
0x17: {  	s4 =	simm.s32 $0x1BF5;
	[smem:$0x3FB2] =	sst s0  }
0x18: {  	s0 =	sld [smem:$0x3F95];
	_ =	swait.ge [sflag:s4], $0x0  }
0x19: {  	s7 =	sld [smem:$0x3F96]  }
0x1a: {  	s8 =	sadd.s32 $0xFFFFE003, lr  }
0x1b: {  	s9 =	sadd.s32 $0xFFFFFEF7, lr;
	s5 =	simm.s32 $0xFFFFFFFF;
	p2 =	slt.u32 s8, $0xFFFFF086  }
0x1c: {  	p1 =	slt.u32 s9, $0xF7A;
	s5 =	simm.s32 @!p2 $0x0  }
0x1d: {  	s5 =	simm.s32 @p1 $0x1;
	p0 =	seq.s32 s7, s2  }
0x1e: {  	s7 =	smul.u32 @!p0 $0xF7A, s2;
	p2 =	seq.s32 @!p0 s5, $0x0  }
0x1f: {  	s9 =	smul.u32 $0xF7A, s1;
	s8 =	simm.s32 @!p0 $0x1BF5;
	p2 =	por !p2, p0  }
0x20: {  	[sflag:s8] =	ssyncset.s32 @!p0 $0xFFFFF086;
	s6 =	sadd.s32 @!p0 s3, s7;
	s7 =	simm.s32 @!p0 $0x108  }
0x21: {  	s3 =	sadd.s32 s3, s9;
	s6 =	sadd.s32 @!p0 $0x88, s6;
	s7 =	simm.s32 @p2 $0x1082  }
0x22: {  	[simem:s7], [sflag:s8] =	dma.local @!p0 [hbm:s6], $0xF7A  }
0x23: {  	s9 =	sor.u32 $0xD0000000, s2;
	s6 =	simm.s32 $0x108;
	_ =	swait.ge @!p0 [sflag:s8], $0x0  }
0x24: {  	s3 =	sadd.s32 $0x88, s3;
	s6 =	simm.s32 @!p1 $0x1082;
	[sflag:s4] =	ssyncset.s32 $0xFFFFF086  }
0x25: {  	[simem:s6], [sflag:s4] =	dma.local [hbm:s3], $0xF7A  }
0x26: {  	[smem:$0x3F96] =	sst s1;
	(tag) =	ssettag s2;
	_ =	strace s9  }
0x27: {  	s1 =	sld [smem:$0x3FA6]  }
0x28: {  	s2 =	sld [smem:$0x3FA7]  }
0x29: {  	s4 =	sld [smem:$0x3FA9]  }
0x2a: {  	p0 =	seq.s32 s5, $0x0;
	s5 =	sld [smem:$0x3FAA]  }
0x2b: {  	s6 =	sld [smem:$0x3FAB]  }
0x2c: {  	s7 =	sld [smem:$0x3FAC]  }
0x2d: {  	s3 =	simm.s32 $0x108;
	s8 =	sld [smem:$0x3FAD]  }
0x2e: {  	s3 =	simm.s32 @!p0 $0x1082;
	s9 =	sld [smem:$0x3FAE]  }
0x2f: {  	lr =	sadd.s32 s0, s3;
	s0 =	sld [smem:$0x3FA5]  }
0x30: {  	s3 =	sld [smem:$0x3FA8]  }
0x31: {  	[smem:$0x3FB1] =	sst s10  }
0x32: {  	s10 =	sld [smem:$0x3FAF];
	_ =	sdelay $0x3  }
0x33: {  	p0 =	seq.s32 s10, $0x1;
	s10 =	sld [smem:$0x3FB1];
	_ =	sdelay $0x3  }
0x34: {  	[smem:$0x3FB1] =	sst s10  }
0x35: {  	s10 =	sld [smem:$0x3FB0];
	_ =	sdelay $0x3  }
0x36: {  	p1 =	seq.s32 s10, $0x1;
	s10 =	sld [smem:$0x3FB1];
	_ =	sdelay $0x3  }
0x37: {  	[smem:$0x3FB1] =	sst s10  }
0x38: {  	s10 =	sld [smem:$0x3FB2]  }
0x39: {  	_ = 	snop;
	(pc) =	sbr.ind lr, $3  }
0x3a: {  	_ = 	snop  }
0x3b: {  	_ = 	snop  }
0x3c: {  	p2 =	seq.s32 s10, $0x1;
	s10 =	sld [smem:$0x3FB1]  }
0x3d: {  	_ =	shalt  }
0x3e: {  	_ =	shalt  }
0x3f: {  	_ =	shalt  }
0x40: {  	_ =	shalt  }
0x41: {  	_ =	shalt  }
0x42: {  	_ =	shalt  }
0x43: {  	_ =	shalt  }
0x44: {  	_ =	shalt  }
0x45: {  	_ =	shalt  }
0x46: {  	_ =	shalt  }
0x47: {  	_ =	shalt  }
0x48: {  	_ =	shalt  }
0x49: {  	_ =	shalt  }
0x4a: {  	_ =	shalt  }
0x4b: {  	_ =	shalt  }
0x4c: {  	_ =	shalt  }
0x4d: {  	_ =	shalt  }
0x4e: {  	_ =	shalt  }
0x4f: {  	_ =	shalt  }
0x50: {  	_ =	shalt  }
0x51: {  	_ =	shalt  }
0x52: {  	_ =	shalt  }
0x53: {  	_ =	shalt  }
0x54: {  	_ =	shalt  }
0x55: {  	_ =	shalt  }
0x56: {  	_ =	shalt  }
0x57: {  	_ =	shalt  }
0x58: {  	_ =	shalt  }
0x59: {  	_ =	shalt  }
0x5a: {  	_ =	shalt  }
0x5b: {  	_ =	shalt  }
0x5c: {  	_ =	shalt  }
0x5d: {  	_ =	shalt  }
0x5e: {  	_ =	shalt  }
0x5f: {  	_ =	shalt  }
0x60: {  	_ =	shalt  }
0x61: {  	_ =	shalt  }
0x62: {  	_ =	shalt  }
0x63: {  	_ =	shalt  }
0x64: {  	_ =	shalt  }
0x65: {  	_ =	shalt  }
0x66: {  	_ =	shalt  }
0x67: {  	_ =	shalt  }
0x68: {  	_ =	shalt  }
0x69: {  	_ =	shalt  }
0x6a: {  	_ =	shalt  }
0x6b: {  	_ =	shalt  }
0x6c: {  	_ =	shalt  }
0x6d: {  	_ =	shalt  }
0x6e: {  	_ =	shalt  }
0x6f: {  	_ =	shalt  }
0x70: {  	_ =	shalt  }
0x71: {  	_ =	shalt  }
0x72: {  	_ =	shalt  }
0x73: {  	_ =	shalt  }
0x74: {  	_ =	shalt  }
0x75: {  	_ =	shalt  }
0x76: {  	_ =	shalt  }
0x77: {  	_ =	shalt  }
0x78: {  	_ =	shalt  }
0x79: {  	_ =	shalt  }
0x7a: {  	_ =	shalt  }
0x7b: {  	_ =	shalt  }
0x7c: {  	_ =	shalt  }
0x7d: {  	_ =	shalt  }
0x7e: {  	_ =	shalt  }
0x7f: {  	_ =	shalt  }
0x80: {  	_ =	shalt  }
0x81: {  	_ =	shalt  }
0x82: {  	_ =	shalt  }
0x83: {  	_ =	shalt  }
0x84: {  	_ =	shalt  }
0x85: {  	_ =	shalt  }
0x86: {  	_ =	shalt  }
0x87: {  	_ =	shalt  }
.Lfunc_end0:
.L_simem_size_0:
called_computation_lowered:
.L_overlay_start_0:
0x88: {  	s2 =	sld [smem:$0x3FD9]  }
0x89: {  	s3 =	sld [smem:$0x3FFE];
	_ =	sdelay $0x1  }
0x8a: {  	s1 =	srdreg.scid  }
0x8b: {  	s0 =	sand.u32 $0x1, s1  }
0x8c: {  	s17 =	sshll.u32 s0, $0xA;
	s2 =	sadd.s32 s3, s2  }
0x8d: {  	s2 =	sadd.s32 s2, s17  }
0x8e: {  	[smem:$0x3FBD] =	sst s2  }
0x8f: {  	_ = 	snop  }
0x90: {  	s2 =	sld [smem:$0x3FD0];
	(tm) =	ssettm $0x1  }
0x91: {  	s18 =	sld [smem:$0x3FFB];
	_ =	sdelay $0x3  }
0x92: {  	_ =	strace s18  }
0x93: {  	s3 =	sld [smem:$0x3FFC];
	_ =	sdelay $0x3  }
0x94: {  	_ =	strace s3  }
0x95: {  	s3 =	sld [smem:$0x3FFD];
	_ =	sdelay $0x3  }
0x96: {  	_ =	strace s3  }
0x97: {  	_ =	strace $0x8FFFFFFF  }
0x98: {  	s19 =	sld [smem:$0x3FDB];
	_ =	sdelay $0x1  }
0x99: {  	s4 =	simm.s32 $_scs_section_size  }
0x9a: {  	s5 =	simm.s32 $_size__tile_overlayer_lowered;
	s6 =	simm.s32 $_tile_overlayer_lowered  }
0x9b: {  	s22 =	simm.s32 $0x1BFF;
	s21 =	sshll.u32 s6, $0x1;
	s3 =	sadd.s32 s4, s19  }
0x9c: {  	s7 =	simm.s32 $0x0;
	s20 =	sshll.u32 s5, $0x1;
	s5 =	sadd.s32 s21, s3  }
0x9d: {  	[timem:s7], [sflag:s22] =	dma.local [hbm:s5], s20  }
0x9e: {  	_ =	swait.ge [sflag:s22], s20  }
0x9f: {  	s4 =	ssub.s32 $0x0, s20;
	[sflag:s22] =	ssyncset.done $0x0  }
0xa0: {  	[sflag:s22] =	ssyncadd.s32 s4;
	_ =	sdelay $0x1  }
0xa1: {  	s23 =	simm.s32 $0x1B8B  }
0xa2: {  	_ =	swait.ge [sflag:s23], $0x1  }
0xa3: {  	[sflag:s23] =	ssyncset.done $0x0  }
0xa4: {  	s25 =	simm.s32 $0x1B8E;
	s24 =	sld [smem:$0x3FFE];
	[sflag:s23] =	ssyncadd.s32 $0xFFFFFFFF  }
0xa5: {  	s26 =	simm.s32 $execute0_lowered;
	[smem:$0x3FD2] =	sst s25  }
0xa6: {  	s5 =	sshll.u32 s26, $0x1;
	_ =	strace $0x80000046;
	[dreg:$0x1] =	wrdreg $0xFFFFFFFF  }
0xa7: {  	s28 =	simm.s32 $_size_execute0_lowered;
	s3 =	sadd.s32 s3, s5;
	[dreg:$0x0] =	wrdreg $0x0  }
0xa8: {  	s5 =	sshll.u32 s28, $0x1;
	[dreg:$0x2] =	wrdreg s3  }
0xa9: {  	[dreg:$0x3] =	wrdreg s5  }
0xaa: {  	[dreg:$0x4] =	wrdreg $0xC0  }
0xab: {  	_ =	task [dreg:s7], $0x5FFFF  }
0xac: {  	[dreg:$0x1] =	wrdreg $0xFFFFFFFF  }
0xad: {  	[dreg:$0x0] =	wrdreg $0x60  }
0xae: {  	[dreg:$0x2] =	wrdreg s2  }
0xaf: {  	[dreg:$0x3] =	wrdreg s24  }
0xb0: {  	[dreg:$0x4] =	wrdreg $0x0  }
0xb1: {  	[dreg:$0x5] =	wrdreg $0x9  }
0xb2: {  	_ =	task.clear_ibuf [dreg:s7], $0x6FFFF;
	_ =	strace $0x90000046  }
0xb3: {  	s29 =	simm.s32 $0x9;
	_ =	strace $0x80000048  }
0xb4: {  	_ =	swait.ge [sflag:s29], $0x1  }
0xb5: {  	[sflag:s29] =	ssyncadd.s32 $0xFFFFFFFF  }
0xb6: {  	_ =	strace $0x90000048  }
0xb7: {  	_ =	sfence  }
0xb8: {  	s30 =	sld [smem:$0x0];
	_ =	sdelay $0x2  }
0xb9: {  	s31 =	sshll.u32 s1, $0xD;
	s1 =	sshrl.u32 s1, $0x2  }
0xba: {  	s3 =	sand.u32 $0x4000, s31;
	s1 =	sadd.s32 s1, s30  }
0xbb: {  	s0 =	sor.u32 s3, s0;
	s1 =	sshll.u32 s1, $0x11  }
0xbc: {  	s0 =	sor.u32 s1, s0  }
0xbd: {  	s0 =	sadd.s32 $0x8F2B, s0  }
0xbe: {  	[sflag:s0] =	ssyncadd.remote.s32 $0x1  }
0xbf: {  	_ =	sfence.sel $0xFFFF  }
0xc0: {  	[dreg:$0x0] =	wrdreg $0xFFFFFFFF;
	(pc) =	sbr.abs _section_cstart, $3  }
0xc1: {  	[dreg:$0x1] =	wrdreg $0xFFFFFFFF  }
0xc2: {  	_ =	task.clear_ibuf [dreg:s7], $0x2FFFF;
	_ =	strace $0x9FFFFFFF  }
0xc3: {  	(tm) =	ssettm $0x7FFFFFFF  }
tec
execute0_lowered:
.L_overlay_start_1:
0x0: {  	(tag) =	ssettag $0x1  }
0x1: {  	s7 =	rddreg [dreg:$0x0]  }
0x2: {  	s6 =	rddreg [dreg:$0x1]  }
0x3: {  	s1 =	rddreg [dreg:$0x2]  }
0x4: {  	s0 =	rddreg [dreg:$0x3]  }
0x5: {  	s2 =	simm.s32 $0x0;
	s5 =	srdreg.scid;
	s13 =	stileid.u32  }
0x6: {  	s14 =	simm.s32 $0x1;
	s18 =	simm.s32 $0x0;
	[smem:$0x7FF] =	sst s2  }
0x7: {  	s3 =	sadd.s32 $0x4000, s6;
	s4 =	sadd.s32 $0x4200, s6;
	s8 =	sand.u32 $0x1, s5  }
0x8: {  	s9 =	sshll.u32 s13, $0x1;
	s5 =	sadd.s32 $0x4800, s6;
	s6 =	sadd.s32 $0x4E00, s6  }
0x9: {  	p0 =	seq.s32 s13, $0x0;
	_ =	strace $0x80000047;
	s10 =	ssub.s32 $0x2, s8  }
0xa: {  	s9 =	sor.u32 s8, s9;
	p1 =	seq.s32 s8, $0x1;
	s31 =	sor.u32 s8, s13  }
0xb: {  	s11 =	sshrl.u32 s10, $0x1;
	s9 =	smul.u32 $0x500, s9;
	p0 =	por !p0, !p1  }
0xc: {  	p2 =	sne.s32 s31, $0x0;
	s10 =	ssub.s32 s10, s11;
	p1 =	por !p0, !p0  }
0xd: {  	p0 =	sne.s32 s13, $0x0;
	s11 =	simm.s32 $0x298;
	s15 =	sshll.u32 @!p2 s13, $0x6  }
0xe: {  	s13 =	simm.s32 $0x80;
	s16 =	sshrl.u32 @!p2 s1, $0x3;
	s7 =	sadd.s32 s7, s9  }
0xf: {  	s8 =	smax.u32 s10, $0x1;
	s9 =	simm.s32 $0x2A98;
	s10 =	simm.s32 $0x2  }
0x10: {  	s12 =	sshrl.u32 @!p0 s1, $0x3;
	s15 =	sor.u32 @!p2 $0x1C02, s15;
	s17 =	sshrl.u32 @p1 s1, $0x3  }
.LBB2_1:
0x11: {  	[tilespmem:s9], [sflag:$0x2] =	stream.linear.gather [hbm4b:s3+s2], $0x80, $0x38;
	[tilespmem:$0x2B18] =	vst v63  }
0x12: {  	_ =	swait.ge [sflag:s10], $0x80  }
0x13: {  	[sflag:s10] =	ssyncset.done $0x0  }
0x14: {  	[sflag:s10] =	ssyncadd.s32 $0xFFFFFF80  }
0x15: {  	[tilespmem:s11], [sflag:$0x2] =	stream.linear.gather [hbm4b:s7+s2], $0x2800, $0x38;
	[tilespmem:$0x2B18] =	vst v63  }
0x16: {  	_ =	swait.ge [sflag:s10], $0x2800  }
0x17: {  	[sflag:s10] =	ssyncset.done $0x0  }
0x18: {  	s19 =	simm.s32 @!p0 $0x1C02;
	[sflag:s10] =	ssyncadd.s32 $0xFFFFD800  }
0x19: {  	[spmem:s12], [sflag:s19] =	dma.local @!p0 [hbm:s4], $0x530  }
0x1a: {  	s19 =	simm.s32 @!p0 $0x2  }
0x1b: {  	_ =	swait.ge @!p0 [sflag:s19], $0x530  }
0x1c: {  	[sflag:s19] =	ssyncset.done @!p0 $0x0  }
0x1d: {  	[sflag:s19] =	ssyncadd.s32 @!p0 $0xFFFFFAD0  }
0x1e: {  	s23 =	simm.s32 $0x298;
	[bflag:$0x0] =	sbarrier.arrive $0xFFFF  }
0x1f: {  	[spmem:s1] =	stream.indirect.scatter.add.f32 [tilespmem:s9], [sflag:$0x1], $0x1, s23, s13, $0xb8;
	[tilespmem:$0x2B18] =	vst v63  }
0x20: {  	s24 =	simm.s32 $0x318  }
0x21: {  	[spmem:s1] =	stream.indirect.scatter.add.f32 [tilespmem:s9], [sflag:$0x1], $0x1, s24, s13, $0xb8;
	[tilespmem:$0x2B18] =	vst v63  }
0x22: {  	s25 =	simm.s32 $0x398  }
0x23: {  	[spmem:s1] =	stream.indirect.scatter.add.f32 [tilespmem:s9], [sflag:$0x1], $0x1, s25, s13, $0xb8;
	[tilespmem:$0x2B18] =	vst v63  }
0x24: {  	s26 =	simm.s32 $0x418  }
0x25: {  	[spmem:s1] =	stream.indirect.scatter.add.f32 [tilespmem:s9], [sflag:$0x1], $0x1, s26, s13, $0xb8;
	[tilespmem:$0x2B18] =	vst v63  }
0x26: {  	s28 =	simm.s32 $0x498  }
0x27: {  	[spmem:s1] =	stream.indirect.scatter.add.f32 [tilespmem:s9], [sflag:$0x1], $0x1, s28, s13, $0xb8;
	[tilespmem:$0x2B18] =	vst v63  }
0x28: {  	s29 =	simm.s32 $0x518  }
0x29: {  	[spmem:s1] =	stream.indirect.scatter.add.f32 [tilespmem:s9], [sflag:$0x1], $0x1, s29, s13, $0xb8;
	[tilespmem:$0x2B18] =	vst v63  }
0x2a: {  	s30 =	simm.s32 $0x598  }
0x2b: {  	[spmem:s1] =	stream.indirect.scatter.add.f32 [tilespmem:s9], [sflag:$0x1], $0x1, s30, s13, $0xb8;
	[tilespmem:$0x2B18] =	vst v63  }
0x2c: {  	s31 =	simm.s32 $0x618  }
0x2d: {  	[spmem:s1] =	stream.indirect.scatter.add.f32 [tilespmem:s9], [sflag:$0x1], $0x1, s31, s13, $0xb8;
	[tilespmem:$0x2B18] =	vst v63  }
0x2e: {  	_ =	swait.ge [sflag:s14], $0x80  }
0x2f: {  	[sflag:s14] =	ssyncset.done $0x0  }
0x30: {  	[sflag:s14] =	ssyncadd.s32 $0xFFFFFF80  }
0x31: {  	_ =	swait.ge [sflag:s14], $0x80  }
0x32: {  	[sflag:s14] =	ssyncset.done $0x0  }
0x33: {  	[sflag:s14] =	ssyncadd.s32 $0xFFFFFF80  }
0x34: {  	_ =	swait.ge [sflag:s14], $0x80  }
0x35: {  	[sflag:s14] =	ssyncset.done $0x0  }
0x36: {  	[sflag:s14] =	ssyncadd.s32 $0xFFFFFF80  }
0x37: {  	_ =	swait.ge [sflag:s14], $0x80  }
0x38: {  	[sflag:s14] =	ssyncset.done $0x0  }
0x39: {  	[sflag:s14] =	ssyncadd.s32 $0xFFFFFF80  }
0x3a: {  	_ =	swait.ge [sflag:s14], $0x80  }
0x3b: {  	[sflag:s14] =	ssyncset.done $0x0  }
0x3c: {  	[sflag:s14] =	ssyncadd.s32 $0xFFFFFF80  }
0x3d: {  	_ =	swait.ge [sflag:s14], $0x80  }
0x3e: {  	[sflag:s14] =	ssyncset.done $0x0  }
0x3f: {  	[sflag:s14] =	ssyncadd.s32 $0xFFFFFF80  }
0x40: {  	_ =	swait.ge [sflag:s14], $0x80  }
0x41: {  	[sflag:s14] =	ssyncset.done $0x0  }
0x42: {  	[sflag:s14] =	ssyncadd.s32 $0xFFFFFF80  }
0x43: {  	_ =	swait.ge [sflag:s14], $0x80  }
0x44: {  	s22 =	simm.s32 $0x2000;
	s21 =	simm.s32 $0x400;
	[sflag:s14] =	ssyncset.done $0x0  }
.LBB2_2:
0x45: {  	s23 =	sadd.s32 $0x298, s21  }
0x46: {  	[sflag:s14] =	ssyncadd.s32 $0xFFFFFF80;
	s20 =	smov.u32 s22;
	s19 =	sadd.s32 $0x1000, s22  }
0x47: {  	[spmem:s1] =	stream.indirect.scatter.add.f32 [tilespmem:s9], [sflag:$0x1], $0x1, s23, s13, $0xb8;
	[tilespmem:$0x2B18] =	vst v63  }
0x48: {  	p3 =	sne.s32 s22, $0x9000;
	s22 =	sadd.s32 $0x318, s21  }
0x49: {  	[spmem:s1] =	stream.indirect.scatter.add.f32 [tilespmem:s9], [sflag:$0x1], $0x1, s22, s13, $0xb8;
	[tilespmem:$0x2B18] =	vst v63  }
0x4a: {  	s22 =	sadd.s32 $0x398, s21  }
0x4b: {  	[spmem:s1] =	stream.indirect.scatter.add.f32 [tilespmem:s9], [sflag:$0x1], $0x1, s22, s13, $0xb8;
	[tilespmem:$0x2B18] =	vst v63  }
0x4c: {  	s22 =	sadd.s32 $0x418, s21  }
0x4d: {  	[spmem:s1] =	stream.indirect.scatter.add.f32 [tilespmem:s9], [sflag:$0x1], $0x1, s22, s13, $0xb8;
	[tilespmem:$0x2B18] =	vst v63  }
0x4e: {  	s22 =	sadd.s32 $0x498, s21  }
0x4f: {  	[spmem:s1] =	stream.indirect.scatter.add.f32 [tilespmem:s9], [sflag:$0x1], $0x1, s22, s13, $0xb8;
	[tilespmem:$0x2B18] =	vst v63  }
0x50: {  	s22 =	sadd.s32 $0x518, s21  }
0x51: {  	[spmem:s1] =	stream.indirect.scatter.add.f32 [tilespmem:s9], [sflag:$0x1], $0x1, s22, s13, $0xb8;
	[tilespmem:$0x2B18] =	vst v63  }
0x52: {  	s22 =	sadd.s32 $0x598, s21  }
0x53: {  	[spmem:s1] =	stream.indirect.scatter.add.f32 [tilespmem:s9], [sflag:$0x1], $0x1, s22, s13, $0xb8;
	[tilespmem:$0x2B18] =	vst v63  }
0x54: {  	s21 =	sadd.s32 $0x618, s21  }
0x55: {  	[spmem:s1] =	stream.indirect.scatter.add.f32 [tilespmem:s9], [sflag:$0x1], $0x1, s21, s13, $0xb8;
	[tilespmem:$0x2B18] =	vst v63  }
0x56: {  	_ =	swait.ge [sflag:s14], $0x80  }
0x57: {  	[sflag:s14] =	ssyncset.done $0x0  }
0x58: {  	[sflag:s14] =	ssyncadd.s32 $0xFFFFFF80  }
0x59: {  	_ =	swait.ge [sflag:s14], $0x80  }
0x5a: {  	[sflag:s14] =	ssyncset.done $0x0  }
0x5b: {  	[sflag:s14] =	ssyncadd.s32 $0xFFFFFF80  }
0x5c: {  	_ =	swait.ge [sflag:s14], $0x80  }
0x5d: {  	[sflag:s14] =	ssyncset.done $0x0  }
0x5e: {  	[sflag:s14] =	ssyncadd.s32 $0xFFFFFF80  }
0x5f: {  	_ =	swait.ge [sflag:s14], $0x80  }
0x60: {  	[sflag:s14] =	ssyncset.done $0x0  }
0x61: {  	[sflag:s14] =	ssyncadd.s32 $0xFFFFFF80  }
0x62: {  	_ =	swait.ge [sflag:s14], $0x80  }
0x63: {  	[sflag:s14] =	ssyncset.done $0x0  }
0x64: {  	[sflag:s14] =	ssyncadd.s32 $0xFFFFFF80  }
0x65: {  	_ =	swait.ge [sflag:s14], $0x80  }
0x66: {  	[sflag:s14] =	ssyncset.done $0x0  }
0x67: {  	[sflag:s14] =	ssyncadd.s32 $0xFFFFFF80  }
.Ltmp0:
0x68: {  	_ =	swait.ge [sflag:s14], $0x80;
	(pc) =	sbr.rel @p3 .LBB2_2-.Ltmp0, $4  }
0x69: {  	[sflag:s14] =	ssyncset.done $0x0  }
0x6a: {  	[sflag:s14] =	ssyncadd.s32 $0xFFFFFF80  }
0x6b: {  	_ =	swait.ge [sflag:s14], $0x80  }
0x6c: {  	s22 =	smov.u32 s19;
	s21 =	sshra.s32 s20, $0x2;
	[sflag:s14] =	ssyncset.done $0x0  }
0x6d: {  	s19 =	sadd.s32 $0x298, s21;
	[sflag:s14] =	ssyncadd.s32 $0xFFFFFF80  }
0x6e: {  	[spmem:s1] =	stream.indirect.scatter.add.f32 [tilespmem:s9], [sflag:$0x1], $0x1, s19, s13, $0xb8;
	[tilespmem:$0x2B18] =	vst v63  }
0x6f: {  	s24 =	sadd.s32 $0x318, s21  }
0x70: {  	[spmem:s1] =	stream.indirect.scatter.add.f32 [tilespmem:s9], [sflag:$0x1], $0x1, s24, s13, $0xb8;
	[tilespmem:$0x2B18] =	vst v63  }
0x71: {  	s25 =	sadd.s32 $0x398, s21  }
0x72: {  	[spmem:s1] =	stream.indirect.scatter.add.f32 [tilespmem:s9], [sflag:$0x1], $0x1, s25, s13, $0xb8;
	[tilespmem:$0x2B18] =	vst v63  }
0x73: {  	s26 =	sadd.s32 $0x418, s21  }
0x74: {  	[spmem:s1] =	stream.indirect.scatter.add.f32 [tilespmem:s9], [sflag:$0x1], $0x1, s26, s13, $0xb8;
	[tilespmem:$0x2B18] =	vst v63  }
0x75: {  	s28 =	sadd.s32 $0x498, s21  }
0x76: {  	[spmem:s1] =	stream.indirect.scatter.add.f32 [tilespmem:s9], [sflag:$0x1], $0x1, s28, s13, $0xb8;
	[tilespmem:$0x2B18] =	vst v63  }
0x77: {  	s29 =	sadd.s32 $0x518, s21  }
0x78: {  	[spmem:s1] =	stream.indirect.scatter.add.f32 [tilespmem:s9], [sflag:$0x1], $0x1, s29, s13, $0xb8;
	[tilespmem:$0x2B18] =	vst v63  }
0x79: {  	s30 =	sadd.s32 $0x598, s21  }
0x7a: {  	[spmem:s1] =	stream.indirect.scatter.add.f32 [tilespmem:s9], [sflag:$0x1], $0x1, s30, s13, $0xb8;
	[tilespmem:$0x2B18] =	vst v63  }
0x7b: {  	s31 =	sadd.s32 $0x618, s21  }
0x7c: {  	[spmem:s1] =	stream.indirect.scatter.add.f32 [tilespmem:s9], [sflag:$0x1], $0x1, s31, s13, $0xb8;
	[tilespmem:$0x2B18] =	vst v63  }
0x7d: {  	_ =	swait.ge [sflag:s14], $0x80  }
0x7e: {  	[sflag:s14] =	ssyncset.done $0x0  }
0x7f: {  	[sflag:s14] =	ssyncadd.s32 $0xFFFFFF80  }
0x80: {  	_ =	swait.ge [sflag:s14], $0x80  }
0x81: {  	[sflag:s14] =	ssyncset.done $0x0  }
0x82: {  	[sflag:s14] =	ssyncadd.s32 $0xFFFFFF80  }
0x83: {  	_ =	swait.ge [sflag:s14], $0x80  }
0x84: {  	[sflag:s14] =	ssyncset.done $0x0  }
0x85: {  	[sflag:s14] =	ssyncadd.s32 $0xFFFFFF80  }
0x86: {  	_ =	swait.ge [sflag:s14], $0x80  }
0x87: {  	[sflag:s14] =	ssyncset.done $0x0  }
0x88: {  	[sflag:s14] =	ssyncadd.s32 $0xFFFFFF80  }
0x89: {  	_ =	swait.ge [sflag:s14], $0x80  }
0x8a: {  	[sflag:s14] =	ssyncset.done $0x0  }
0x8b: {  	[sflag:s14] =	ssyncadd.s32 $0xFFFFFF80  }
0x8c: {  	_ =	swait.ge [sflag:s14], $0x80  }
0x8d: {  	[sflag:s14] =	ssyncset.done $0x0  }
0x8e: {  	[sflag:s14] =	ssyncadd.s32 $0xFFFFFF80  }
0x8f: {  	_ =	swait.ge [sflag:s14], $0x80  }
0x90: {  	[sflag:s14] =	ssyncset.done $0x0  }
0x91: {  	[sflag:s14] =	ssyncadd.s32 $0xFFFFFF80  }
0x92: {  	_ =	swait.ge [sflag:s14], $0x80  }
0x93: {  	[sflag:s14] =	ssyncset.done $0x0  }
0x94: {  	[sflag:s14] =	ssyncadd.s32 $0xFFFFFF80  }
0x95: {  	s19 =	simm.s32 @!p2 $0x2;
	[bflag:$0x0] =	sbarrier.arrive $0xFFFF  }
0x96: {  	[hbm:s5], [sflag:s15] =	dma.local @!p2 [spmem:s16], $0x530  }
0x97: {  	_ =	swait.ge @!p2 [sflag:s19], $0x530  }
0x98: {  	s18 =	sadd.s32 $0x1, s18;
	[sflag:s19] =	ssyncset.done @!p2 $0x0  }
0x99: {  	p3 =	sne.s32 s18, s8;
	[sflag:s19] =	ssyncadd.s32 @!p2 $0xFFFFFAD0;
	s19 =	simm.s32 @p1 $0x1C02  }
0x9a: {  	[hbm:s6], [sflag:s19] =	dma.local @p1 [spmem:s17], $0x530  }
.Ltmp1:
0x9b: {  	_ = 	snop;
	(pc) =	sbr.rel @p3 .LBB2_1-.Ltmp1, $4  }
0x9c: {  	s19 =	simm.s32 @p1 $0x2  }
0x9d: {  	_ =	swait.ge @p1 [sflag:s19], $0x530  }
0x9e: {  	[sflag:s19] =	ssyncset.done @p1 $0x0  }
0x9f: {  	[sflag:s19] =	ssyncadd.s32 @p1 $0xFFFFFAD0  }
0xa0: {  	_ =	sfence.sel $0x180000  }
0xa1: {  	[bflag:$0x0] =	sbarrier.arrive $0xFFFF  }
0xa2: {  	_ =	strace $0x90000047  }
0xa3: {  	s0 =	sadd.s32 @!p0 $0x100000, s0;
	[bflag:$0x2] =	sbarrier.arrive $0xFFFF  }
0xa4: {  	[sflag:s0] =	ssyncadd.tile.s32 @!p0 $0x1;
	_ =	shalt  }
.Lfunc_end2:
_tile_overlayer_lowered:
.L_overlay_start_2:
0xa5: {  	(tag) =	ssettag $0x2  }
0xa6: {  	s0 =	rddreg [dreg:$0x0];
	s2 =	stileid.u32  }
0xa7: {  	s1 =	rddreg [dreg:$0x1];
	p0 =	sne.s32 s2, $0x0  }
0xa8: {  	s3 =	rddreg [dreg:$0x2];
	[bflag:$0x3] =	sbarrier.arrive $0xFFFF;
	s2 =	simm.s32 @!p0 $0x1C02  }
0xa9: {  	[timem:s3], [sflag:s2] =	dma.local @!p0 [hbm:s0], s1  }
0xaa: {  	s0 =	simm.s32 @!p0 $0x2  }
0xab: {  	_ =	swait.ge @!p0 [sflag:s0], s1  }
0xac: {  	s1 =	ssub.s32 @!p0 $0x0, s1;
	[sflag:s0] =	ssyncset.done @!p0 $0x0  }
0xad: {  	[sflag:s0] =	ssyncadd.s32 @!p0 s1  }
0xae: {  	[bflag:$0x3] =	sbarrier.arrive $0xFFFF  }
0xaf: {  	_ =	shalt  }

// kernel: kernel.13.cloned.1.call-start
scs
__scs_entry_jumppad:
0x0: {  	(pc) =	sbr.rel $0x88, $3  }
0x1: {  	(tag) =	ssettag $0x0;
	lr =	simm.s32 $0x1  }
0x2: {  	[smem:$0x3F96] =	sst lr;
	_ =	strace $0xD0000000  }
0x3: {  	_ = 	snop  }
0x4: {  	_ = 	snop  }
0x5: {  	_ = 	snop  }
0x6: {  	_ = 	snop  }
0x7: {  	_ = 	snop  }
__scs_overlays_trampoline_lowered:
0x8: {  	[smem:$0x3FA5] =	sst s0  }
0x9: {  	[smem:$0x3FA6] =	sst s1  }
0xa: {  	[smem:$0x3FA7] =	sst s2  }
0xb: {  	[smem:$0x3FA8] =	sst s3  }
0xc: {  	[smem:$0x3FA9] =	sst s4  }
0xd: {  	[smem:$0x3FAA] =	sst s5  }
0xe: {  	[smem:$0x3FAB] =	sst s6  }
0xf: {  	[smem:$0x3FAC] =	sst s7  }
0x10: {  	[smem:$0x3FAD] =	sst s8  }
0x11: {  	[smem:$0x3FAE] =	sst s9;
	s0 =	simm.s32 @!p0 $0x0  }
0x12: {  	s1 =	sld [smem:$0x3F94];
	s0 =	simm.s32 @p0 $0x1  }
0x13: {  	[smem:$0x3FAF] =	sst s0;
	s0 =	simm.s32 @!p1 $0x0  }
0x14: {  	s2 =	sld [smem:$0x3F93];
	s0 =	simm.s32 @p1 $0x1  }
0x15: {  	[smem:$0x3FB0] =	sst s0;
	s0 =	simm.s32 @!p2 $0x0  }
0x16: {  	s3 =	sld [smem:$0x3FDB];
	s0 =	simm.s32 @p2 $0x1  }
0x17: {  	s4 =	simm.s32 $0x1BF5;
	[smem:$0x3FB2] =	sst s0  }
0x18: {  	s0 =	sld [smem:$0x3F95];
	_ =	swait.ge [sflag:s4], $0x0  }
0x19: {  	s7 =	sld [smem:$0x3F96]  }
0x1a: {  	s8 =	sadd.s32 $0xFFFFE003, lr  }
0x1b: {  	s9 =	sadd.s32 $0xFFFFFEF7, lr;
	s5 =	simm.s32 $0xFFFFFFFF;
	p2 =	slt.u32 s8, $0xFFFFF086  }
0x1c: {  	p1 =	slt.u32 s9, $0xF7A;
	s5 =	simm.s32 @!p2 $0x0  }
0x1d: {  	s5 =	simm.s32 @p1 $0x1;
	p0 =	seq.s32 s7, s2  }
0x1e: {  	s7 =	smul.u32 @!p0 $0xF7A, s2;
	p2 =	seq.s32 @!p0 s5, $0x0  }
0x1f: {  	s9 =	smul.u32 $0xF7A, s1;
	s8 =	simm.s32 @!p0 $0x1BF5;
	p2 =	por !p2, p0  }
0x20: {  	[sflag:s8] =	ssyncset.s32 @!p0 $0xFFFFF086;
	s6 =	sadd.s32 @!p0 s3, s7;
	s7 =	simm.s32 @!p0 $0x108  }
0x21: {  	s3 =	sadd.s32 s3, s9;
	s6 =	sadd.s32 @!p0 $0x88, s6;
	s7 =	simm.s32 @p2 $0x1082  }
0x22: {  	[simem:s7], [sflag:s8] =	dma.local @!p0 [hbm:s6], $0xF7A  }
0x23: {  	s9 =	sor.u32 $0xD0000000, s2;
	s6 =	simm.s32 $0x108;
	_ =	swait.ge @!p0 [sflag:s8], $0x0  }
0x24: {  	s3 =	sadd.s32 $0x88, s3;
	s6 =	simm.s32 @!p1 $0x1082;
	[sflag:s4] =	ssyncset.s32 $0xFFFFF086  }
0x25: {  	[simem:s6], [sflag:s4] =	dma.local [hbm:s3], $0xF7A  }
0x26: {  	[smem:$0x3F96] =	sst s1;
	(tag) =	ssettag s2;
	_ =	strace s9  }
0x27: {  	s1 =	sld [smem:$0x3FA6]  }
0x28: {  	s2 =	sld [smem:$0x3FA7]  }
0x29: {  	s4 =	sld [smem:$0x3FA9]  }
0x2a: {  	p0 =	seq.s32 s5, $0x0;
	s5 =	sld [smem:$0x3FAA]  }
0x2b: {  	s6 =	sld [smem:$0x3FAB]  }
0x2c: {  	s7 =	sld [smem:$0x3FAC]  }
0x2d: {  	s3 =	simm.s32 $0x108;
	s8 =	sld [smem:$0x3FAD]  }
0x2e: {  	s3 =	simm.s32 @!p0 $0x1082;
	s9 =	sld [smem:$0x3FAE]  }
0x2f: {  	lr =	sadd.s32 s0, s3;
	s0 =	sld [smem:$0x3FA5]  }
0x30: {  	s3 =	sld [smem:$0x3FA8]  }
0x31: {  	[smem:$0x3FB1] =	sst s10  }
0x32: {  	s10 =	sld [smem:$0x3FAF];
	_ =	sdelay $0x3  }
0x33: {  	p0 =	seq.s32 s10, $0x1;
	s10 =	sld [smem:$0x3FB1];
	_ =	sdelay $0x3  }
0x34: {  	[smem:$0x3FB1] =	sst s10  }
0x35: {  	s10 =	sld [smem:$0x3FB0];
	_ =	sdelay $0x3  }
0x36: {  	p1 =	seq.s32 s10, $0x1;
	s10 =	sld [smem:$0x3FB1];
	_ =	sdelay $0x3  }
0x37: {  	[smem:$0x3FB1] =	sst s10  }
0x38: {  	s10 =	sld [smem:$0x3FB2]  }
0x39: {  	_ = 	snop;
	(pc) =	sbr.ind lr, $3  }
0x3a: {  	_ = 	snop  }
0x3b: {  	_ = 	snop  }
0x3c: {  	p2 =	seq.s32 s10, $0x1;
	s10 =	sld [smem:$0x3FB1]  }
0x3d: {  	_ =	shalt  }
0x3e: {  	_ =	shalt  }
0x3f: {  	_ =	shalt  }
0x40: {  	_ =	shalt  }
0x41: {  	_ =	shalt  }
0x42: {  	_ =	shalt  }
0x43: {  	_ =	shalt  }
0x44: {  	_ =	shalt  }
0x45: {  	_ =	shalt  }
0x46: {  	_ =	shalt  }
0x47: {  	_ =	shalt  }
0x48: {  	_ =	shalt  }
0x49: {  	_ =	shalt  }
0x4a: {  	_ =	shalt  }
0x4b: {  	_ =	shalt  }
0x4c: {  	_ =	shalt  }
0x4d: {  	_ =	shalt  }
0x4e: {  	_ =	shalt  }
0x4f: {  	_ =	shalt  }
0x50: {  	_ =	shalt  }
0x51: {  	_ =	shalt  }
0x52: {  	_ =	shalt  }
0x53: {  	_ =	shalt  }
0x54: {  	_ =	shalt  }
0x55: {  	_ =	shalt  }
0x56: {  	_ =	shalt  }
0x57: {  	_ =	shalt  }
0x58: {  	_ =	shalt  }
0x59: {  	_ =	shalt  }
0x5a: {  	_ =	shalt  }
0x5b: {  	_ =	shalt  }
0x5c: {  	_ =	shalt  }
0x5d: {  	_ =	shalt  }
0x5e: {  	_ =	shalt  }
0x5f: {  	_ =	shalt  }
0x60: {  	_ =	shalt  }
0x61: {  	_ =	shalt  }
0x62: {  	_ =	shalt  }
0x63: {  	_ =	shalt  }
0x64: {  	_ =	shalt  }
0x65: {  	_ =	shalt  }
0x66: {  	_ =	shalt  }
0x67: {  	_ =	shalt  }
0x68: {  	_ =	shalt  }
0x69: {  	_ =	shalt  }
0x6a: {  	_ =	shalt  }
0x6b: {  	_ =	shalt  }
0x6c: {  	_ =	shalt  }
0x6d: {  	_ =	shalt  }
0x6e: {  	_ =	shalt  }
0x6f: {  	_ =	shalt  }
0x70: {  	_ =	shalt  }
0x71: {  	_ =	shalt  }
0x72: {  	_ =	shalt  }
0x73: {  	_ =	shalt  }
0x74: {  	_ =	shalt  }
0x75: {  	_ =	shalt  }
0x76: {  	_ =	shalt  }
0x77: {  	_ =	shalt  }
0x78: {  	_ =	shalt  }
0x79: {  	_ =	shalt  }
0x7a: {  	_ =	shalt  }
0x7b: {  	_ =	shalt  }
0x7c: {  	_ =	shalt  }
0x7d: {  	_ =	shalt  }
0x7e: {  	_ =	shalt  }
0x7f: {  	_ =	shalt  }
0x80: {  	_ =	shalt  }
0x81: {  	_ =	shalt  }
0x82: {  	_ =	shalt  }
0x83: {  	_ =	shalt  }
0x84: {  	_ =	shalt  }
0x85: {  	_ =	shalt  }
0x86: {  	_ =	shalt  }
0x87: {  	_ =	shalt  }
.Lfunc_end0:
.L_simem_size_0:
called_computation.1_lowered:
.L_overlay_start_0:
0x88: {  	s2 =	sld [smem:$0x3FD9]  }
0x89: {  	s3 =	sld [smem:$0x3FFE];
	_ =	sdelay $0x1  }
0x8a: {  	s1 =	srdreg.scid  }
0x8b: {  	s0 =	sand.u32 $0x1, s1  }
0x8c: {  	s17 =	sshll.u32 s0, $0xA;
	s2 =	sadd.s32 s3, s2  }
0x8d: {  	s2 =	sadd.s32 s2, s17  }
0x8e: {  	[smem:$0x3FBD] =	sst s2  }
0x8f: {  	_ = 	snop  }
0x90: {  	s2 =	sld [smem:$0x3FD0];
	(tm) =	ssettm $0x1  }
0x91: {  	s18 =	sld [smem:$0x3FFB];
	_ =	sdelay $0x3  }
0x92: {  	_ =	strace s18  }
0x93: {  	s3 =	sld [smem:$0x3FFC];
	_ =	sdelay $0x3  }
0x94: {  	_ =	strace s3  }
0x95: {  	s3 =	sld [smem:$0x3FFD];
	_ =	sdelay $0x3  }
0x96: {  	_ =	strace s3  }
0x97: {  	_ =	strace $0x8FFFFFFF  }
0x98: {  	s19 =	sld [smem:$0x3FDB];
	_ =	sdelay $0x1  }
0x99: {  	s4 =	simm.s32 $_scs_section_size  }
0x9a: {  	s5 =	simm.s32 $_size__tile_overlayer_lowered;
	s6 =	simm.s32 $_tile_overlayer_lowered  }
0x9b: {  	s22 =	simm.s32 $0x1BFF;
	s21 =	sshll.u32 s6, $0x1;
	s3 =	sadd.s32 s4, s19  }
0x9c: {  	s7 =	simm.s32 $0x0;
	s20 =	sshll.u32 s5, $0x1;
	s5 =	sadd.s32 s21, s3  }
0x9d: {  	[timem:s7], [sflag:s22] =	dma.local [hbm:s5], s20  }
0x9e: {  	_ =	swait.ge [sflag:s22], s20  }
0x9f: {  	s4 =	ssub.s32 $0x0, s20;
	[sflag:s22] =	ssyncset.done $0x0  }
0xa0: {  	[sflag:s22] =	ssyncadd.s32 s4;
	_ =	sdelay $0x1  }
0xa1: {  	s23 =	simm.s32 $0x1B8B  }
0xa2: {  	_ =	swait.ge [sflag:s23], $0x1  }
0xa3: {  	[sflag:s23] =	ssyncset.done $0x0  }
0xa4: {  	s25 =	simm.s32 $0x1B8E;
	s24 =	sld [smem:$0x3FFE];
	[sflag:s23] =	ssyncadd.s32 $0xFFFFFFFF  }
0xa5: {  	s26 =	simm.s32 $execute0_lowered;
	[smem:$0x3FD2] =	sst s25  }
0xa6: {  	s5 =	sshll.u32 s26, $0x1;
	_ =	strace $0x80000049;
	[dreg:$0x1] =	wrdreg $0xFFFFFFFF  }
0xa7: {  	s28 =	simm.s32 $_size_execute0_lowered;
	s3 =	sadd.s32 s3, s5;
	[dreg:$0x0] =	wrdreg $0x0  }
0xa8: {  	s5 =	sshll.u32 s28, $0x1;
	[dreg:$0x2] =	wrdreg s3  }
0xa9: {  	[dreg:$0x3] =	wrdreg s5  }
0xaa: {  	[dreg:$0x4] =	wrdreg $0xC0  }
0xab: {  	_ =	task [dreg:s7], $0x5FFFF  }
0xac: {  	[dreg:$0x1] =	wrdreg $0xFFFFFFFF  }
0xad: {  	[dreg:$0x0] =	wrdreg $0x60  }
0xae: {  	[dreg:$0x2] =	wrdreg s24  }
0xaf: {  	[dreg:$0x3] =	wrdreg s2  }
0xb0: {  	[dreg:$0x4] =	wrdreg $0x0  }
0xb1: {  	[dreg:$0x5] =	wrdreg $0x9  }
0xb2: {  	_ =	task.clear_ibuf [dreg:s7], $0x6FFFF;
	_ =	strace $0x90000049  }
0xb3: {  	s29 =	simm.s32 $0x9;
	_ =	strace $0x8000004B  }
0xb4: {  	_ =	swait.ge [sflag:s29], $0x1  }
0xb5: {  	[sflag:s29] =	ssyncadd.s32 $0xFFFFFFFF  }
0xb6: {  	_ =	strace $0x9000004B  }
0xb7: {  	_ =	sfence  }
0xb8: {  	s30 =	sld [smem:$0x0];
	_ =	sdelay $0x2  }
0xb9: {  	s31 =	sshll.u32 s1, $0xD;
	s1 =	sshrl.u32 s1, $0x2  }
0xba: {  	s3 =	sand.u32 $0x4000, s31;
	s1 =	sadd.s32 s1, s30  }
0xbb: {  	s0 =	sor.u32 s3, s0;
	s1 =	sshll.u32 s1, $0x11  }
0xbc: {  	s0 =	sor.u32 s1, s0  }
0xbd: {  	s0 =	sadd.s32 $0x8F2B, s0  }
0xbe: {  	[sflag:s0] =	ssyncadd.remote.s32 $0x1  }
0xbf: {  	_ =	sfence.sel $0xFFFF  }
0xc0: {  	[dreg:$0x0] =	wrdreg $0xFFFFFFFF;
	(pc) =	sbr.abs _section_cstart, $3  }
0xc1: {  	[dreg:$0x1] =	wrdreg $0xFFFFFFFF  }
0xc2: {  	_ =	task.clear_ibuf [dreg:s7], $0x2FFFF;
	_ =	strace $0x9FFFFFFF  }
0xc3: {  	(tm) =	ssettm $0x7FFFFFFF  }
tec
execute0_lowered:
.L_overlay_start_1:
0x0: {  	(tag) =	ssettag $0x1  }
0x1: {  	s5 =	rddreg [dreg:$0x0]  }
0x2: {  	s6 =	rddreg [dreg:$0x1]  }
0x3: {  	s2 =	rddreg [dreg:$0x2]  }
0x4: {  	s0 =	rddreg [dreg:$0x3]  }
0x5: {  	s4 =	srdreg.scid;
	s1 =	stileid.u32  }
0x6: {  	s3 =	simm.s32 $0x0;
	s15 =	simm.s32 $0x3;
	s16 =	simm.s32 $0x14980  }
0x7: {  	s17 =	simm.s32 $0x80;
	s18 =	simm.s32 $0x14A80;
	s19 =	simm.s32 $0x14900  }
0x8: {  	s20 =	simm.s32 $0x14A00;
	s21 =	simm.s32 $0x18A80;
	s8 =	smul.u32 $0x5000, s1  }
0x9: {  	s22 =	simm.s32 $0x1;
	s23 =	simm.s32 $0x2;
	s29 =	smul.u32 $0x4F000, s1  }
0xa: {  	s24 =	simm.s32 $0x0;
	s7 =	sand.u32 $0x1, s4;
	s12 =	smul.u32 $0x13C00, s1  }
0xb: {  	[smem:$0x7FF] =	sst s3;
	s4 =	sadd.s32 $0x19400, s5;
	s9 =	smul.u32 $0x2800, s7  }
0xc: {  	p0 =	seq.s32 s1, $0xF;
	s10 =	ssub.s32 $0x2, s7;
	s7 =	smul.u32 $0x138800, s7  }
0xd: {  	_ =	strace $0x8000004A;
	s14 =	sshll.u32 @!p0 s1, $0x6;
	s30 =	sshrl.u32 s10, $0x1  }
0xe: {  	s8 =	sadd.s32 s9, s8;
	s9 =	sshrl.u32 s29, $0x2;
	s31 =	sadd.s32 s12, s7  }
0xf: {  	s7 =	sshrl.u32 s7, $0x3;
	s12 =	sadd.s32 $0x128400, s2;
	s8 =	sshrl.u32 s8, $0x3  }
0x10: {  	s13 =	sadd.s32 s9, s2;
	s9 =	sshrl.u32 s31, $0x3;
	s7 =	sadd.s32 s6, s7  }
0x11: {  	s11 =	sadd.s32 s8, s5;
	s5 =	sadd.s32 $0x40600, s5;
	s8 =	ssub.s32 s10, s30  }
0x12: {  	s6 =	sadd.s32 s6, s9;
	s7 =	sadd.s32 $0x25080, s7;
	s13 =	sshrl.u32 @!p0 s13, $0x3  }
0x13: {  	s8 =	smax.u32 s8, $0x1;
	s9 =	sadd.s32 $0x5400, s11;
	s10 =	sadd.s32 $0xF400, s11  }
0x14: {  	s11 =	sshrl.u32 @p0 s12, $0x3;
	s12 =	sor.u32 @!p0 $0x1C03, s14;
	s14 =	simm.s32 $0x14880  }
.LBB2_1:
0x15: {  	s25 =	simm.s32 @p0 $0x1FC3  }
0x16: {  	[spmem:s11], [sflag:s25] =	dma.local @p0 [hbm:s5], $0x2080  }
0x17: {  	s25 =	simm.s32 @p0 $0x3  }
0x18: {  	_ =	swait.ge @p0 [sflag:s25], $0x2080  }
0x19: {  	[sflag:s25] =	ssyncset.done @p0 $0x0  }
0x1a: {  	[sflag:s25] =	ssyncadd.s32 @p0 $0xFFFFDF80;
	s25 =	simm.s32 @!p0 $0x3  }
0x1b: {  	[spmem:s13], [sflag:s12] =	dma.local @!p0 [hbm:s5], $0x2780  }
0x1c: {  	_ =	swait.ge @!p0 [sflag:s25], $0x2780  }
0x1d: {  	[sflag:s25] =	ssyncset.done @!p0 $0x0  }
0x1e: {  	[sflag:s25] =	ssyncadd.s32 @!p0 $0xFFFFD880  }
0x1f: {  	s30 =	sadd.s32 $0x0, s9;
	[bflag:$0x0] =	sbarrier.arrive $0xFFFF  }
0x20: {  	[tilespmem:s14], [sflag:$0x3] =	stream.linear.gather [hbm4b:s30+s3], $0x80, $0x38;
	[tilespmem:$0x1CA80] =	vst v63  }
0x21: {  	_ =	swait.ge [sflag:s15], $0x80  }
0x22: {  	[sflag:s15] =	ssyncset.done $0x0  }
0x23: {  	s26 =	sadd.s32 $0x0, s10;
	[sflag:s15] =	ssyncadd.s32 $0xFFFFFF80  }
0x24: {  	[tilespmem:s16], [sflag:$0x3] =	stream.linear.gather [hbm4b:s26+s3], $0x80, $0x38;
	[tilespmem:$0x1CA80] =	vst v63  }
0x25: {  	_ =	swait.ge [sflag:s15], $0x80  }
0x26: {  	[sflag:s15] =	ssyncset.done $0x0  }
0x27: {  	[sflag:s15] =	ssyncadd.s32 $0xFFFFFF80  }
0x28: {  	[tilespmem:s18], [sflag:$0x1] =	stream.indirect.gather [hbm4b:s4+s17], $0x80, s14, s17, $0xb8;
	[tilespmem:$0x1CA80] =	vst v63  }
0x29: {  	s25 =	sadd.s32 $0x10, s30  }
0x2a: {  	[tilespmem:s19], [sflag:$0x3] =	stream.linear.gather [hbm4b:s25+s3], $0x80, $0x38;
	[tilespmem:$0x1CA80] =	vst v63  }
0x2b: {  	_ =	swait.ge [sflag:s15], $0x80  }
0x2c: {  	[sflag:s15] =	ssyncset.done $0x0  }
0x2d: {  	s31 =	sadd.s32 $0x10, s26;
	[sflag:s15] =	ssyncadd.s32 $0xFFFFFF80  }
0x2e: {  	[tilespmem:s20], [sflag:$0x3] =	stream.linear.gather [hbm4b:s31+s3], $0x80, $0x38;
	[tilespmem:$0x1CA80] =	vst v63  }
0x2f: {  	_ =	swait.ge [sflag:s15], $0x80  }
0x30: {  	[sflag:s15] =	ssyncset.done $0x0  }
0x31: {  	[sflag:s15] =	ssyncadd.s32 $0xFFFFFF80  }
0x32: {  	[tilespmem:s21], [sflag:$0x2] =	stream.indirect.gather [hbm4b:s4+s17], $0x80, s19, s17, $0xb8;
	[tilespmem:$0x1CA80] =	vst v63  }
0x33: {  	_ =	swait.ge [sflag:s22], $0x4000  }
0x34: {  	[sflag:s22] =	ssyncset.done $0x0  }
0x35: {  	[sflag:s22] =	ssyncadd.s32 $0xFFFFC000  }
0x36: {  	[spmem:s2] =	stream.indirect.scatter.add.f32 [tilespmem:s18], [sflag:$0x3], $0x80, s16, s17, $0xb8;
	[tilespmem:$0x1CA80] =	vst v63  }
0x37: {  	_ =	swait.ge [sflag:s15], $0x4000  }
0x38: {  	[sflag:s15] =	ssyncset.done $0x0  }
0x39: {  	[sflag:s15] =	ssyncadd.s32 $0xFFFFC000  }
0x3a: {  	_ =	swait.ge [sflag:s23], $0x4000  }
0x3b: {  	[sflag:s23] =	ssyncset.done $0x0  }
0x3c: {  	[sflag:s23] =	ssyncadd.s32 $0xFFFFC000  }
0x3d: {  	[spmem:s2] =	stream.indirect.scatter.add.f32 [tilespmem:s21], [sflag:$0x3], $0x80, s20, s17, $0xb8;
	[tilespmem:$0x1CA80] =	vst v63  }
0x3e: {  	_ =	swait.ge [sflag:s15], $0x4000  }
0x3f: {  	s28 =	simm.s32 $0x40;
	s25 =	simm.s32 $0x20;
	[sflag:s15] =	ssyncset.done $0x0  }
.LBB2_2:
0x40: {  	s29 =	sadd.s32 s25, s9  }
0x41: {  	[sflag:s15] =	ssyncadd.s32 $0xFFFFC000;
	s30 =	smov.u32 s28;
	s26 =	sadd.s32 $0x20, s28  }
0x42: {  	[tilespmem:s14], [sflag:$0x3] =	stream.linear.gather [hbm4b:s29+s3], $0x80, $0x38;
	[tilespmem:$0x1CA80] =	vst v63  }
0x43: {  	p1 =	sne.s32 s28, $0x4E0;
	_ =	swait.ge [sflag:s15], $0x80  }
0x44: {  	[sflag:s15] =	ssyncset.done $0x0  }
0x45: {  	s28 =	sadd.s32 s25, s10;
	s25 =	smov.u32 s30;
	[sflag:s15] =	ssyncadd.s32 $0xFFFFFF80  }
0x46: {  	[tilespmem:s16], [sflag:$0x3] =	stream.linear.gather [hbm4b:s28+s3], $0x80, $0x38;
	[tilespmem:$0x1CA80] =	vst v63  }
0x47: {  	_ =	swait.ge [sflag:s15], $0x80  }
0x48: {  	[sflag:s15] =	ssyncset.done $0x0  }
0x49: {  	[sflag:s15] =	ssyncadd.s32 $0xFFFFFF80  }
0x4a: {  	[tilespmem:s18], [sflag:$0x1] =	stream.indirect.gather [hbm4b:s4+s17], $0x80, s14, s17, $0xb8;
	[tilespmem:$0x1CA80] =	vst v63  }
0x4b: {  	s29 =	sadd.s32 $0x10, s29  }
0x4c: {  	[tilespmem:s19], [sflag:$0x3] =	stream.linear.gather [hbm4b:s29+s3], $0x80, $0x38;
	[tilespmem:$0x1CA80] =	vst v63  }
0x4d: {  	_ =	swait.ge [sflag:s15], $0x80  }
0x4e: {  	[sflag:s15] =	ssyncset.done $0x0  }
0x4f: {  	s28 =	sadd.s32 $0x10, s28;
	[sflag:s15] =	ssyncadd.s32 $0xFFFFFF80  }
0x50: {  	[tilespmem:s20], [sflag:$0x3] =	stream.linear.gather [hbm4b:s28+s3], $0x80, $0x38;
	[tilespmem:$0x1CA80] =	vst v63  }
0x51: {  	_ =	swait.ge [sflag:s15], $0x80  }
0x52: {  	[sflag:s15] =	ssyncset.done $0x0  }
0x53: {  	[sflag:s15] =	ssyncadd.s32 $0xFFFFFF80  }
0x54: {  	[tilespmem:s21], [sflag:$0x2] =	stream.indirect.gather [hbm4b:s4+s17], $0x80, s19, s17, $0xb8;
	[tilespmem:$0x1CA80] =	vst v63  }
0x55: {  	_ =	swait.ge [sflag:s22], $0x4000  }
0x56: {  	[sflag:s22] =	ssyncset.done $0x0  }
0x57: {  	[sflag:s22] =	ssyncadd.s32 $0xFFFFC000  }
0x58: {  	[spmem:s2] =	stream.indirect.scatter.add.f32 [tilespmem:s18], [sflag:$0x3], $0x80, s16, s17, $0xb8;
	[tilespmem:$0x1CA80] =	vst v63  }
0x59: {  	_ =	swait.ge [sflag:s15], $0x4000  }
0x5a: {  	[sflag:s15] =	ssyncset.done $0x0  }
0x5b: {  	[sflag:s15] =	ssyncadd.s32 $0xFFFFC000  }
0x5c: {  	_ =	swait.ge [sflag:s23], $0x4000  }
.Ltmp0:
0x5d: {  	[sflag:s23] =	ssyncset.done $0x0;
	(pc) =	sbr.rel @p1 .LBB2_2-.Ltmp0, $4  }
0x5e: {  	[sflag:s23] =	ssyncadd.s32 $0xFFFFC000  }
0x5f: {  	[spmem:s2] =	stream.indirect.scatter.add.f32 [tilespmem:s21], [sflag:$0x3], $0x80, s20, s17, $0xb8;
	[tilespmem:$0x1CA80] =	vst v63  }
0x60: {  	_ =	swait.ge [sflag:s15], $0x4000  }
0x61: {  	s28 =	smov.u32 s26;
	[sflag:s15] =	ssyncset.done $0x0  }
0x62: {  	s26 =	sadd.s32 s25, s9;
	[sflag:s15] =	ssyncadd.s32 $0xFFFFC000  }
0x63: {  	[tilespmem:s14], [sflag:$0x3] =	stream.linear.gather [hbm4b:s26+s3], $0x80, $0x38;
	[tilespmem:$0x1CA80] =	vst v63  }
0x64: {  	_ =	swait.ge [sflag:s15], $0x80  }
0x65: {  	[sflag:s15] =	ssyncset.done $0x0  }
0x66: {  	s31 =	sadd.s32 s25, s10;
	[sflag:s15] =	ssyncadd.s32 $0xFFFFFF80  }
0x67: {  	[tilespmem:s16], [sflag:$0x3] =	stream.linear.gather [hbm4b:s31+s3], $0x80, $0x38;
	[tilespmem:$0x1CA80] =	vst v63  }
0x68: {  	_ =	swait.ge [sflag:s15], $0x80  }
0x69: {  	[sflag:s15] =	ssyncset.done $0x0  }
0x6a: {  	[sflag:s15] =	ssyncadd.s32 $0xFFFFFF80  }
0x6b: {  	[tilespmem:s18], [sflag:$0x1] =	stream.indirect.gather [hbm4b:s4+s17], $0x80, s14, s17, $0xb8;
	[tilespmem:$0x1CA80] =	vst v63  }
0x6c: {  	s26 =	sadd.s32 $0x10, s26  }
0x6d: {  	[tilespmem:s19], [sflag:$0x3] =	stream.linear.gather [hbm4b:s26+s3], $0x80, $0x38;
	[tilespmem:$0x1CA80] =	vst v63  }
0x6e: {  	_ =	swait.ge [sflag:s15], $0x80  }
0x6f: {  	[sflag:s15] =	ssyncset.done $0x0  }
0x70: {  	s25 =	sadd.s32 $0x10, s31;
	[sflag:s15] =	ssyncadd.s32 $0xFFFFFF80  }
0x71: {  	[tilespmem:s20], [sflag:$0x3] =	stream.linear.gather [hbm4b:s25+s3], $0x80, $0x38;
	[tilespmem:$0x1CA80] =	vst v63  }
0x72: {  	_ =	swait.ge [sflag:s15], $0x80  }
0x73: {  	[sflag:s15] =	ssyncset.done $0x0  }
0x74: {  	[sflag:s15] =	ssyncadd.s32 $0xFFFFFF80  }
0x75: {  	[tilespmem:s21], [sflag:$0x2] =	stream.indirect.gather [hbm4b:s4+s17], $0x80, s19, s17, $0xb8;
	[tilespmem:$0x1CA80] =	vst v63  }
0x76: {  	_ =	swait.ge [sflag:s22], $0x4000  }
0x77: {  	[sflag:s22] =	ssyncset.done $0x0  }
0x78: {  	[sflag:s22] =	ssyncadd.s32 $0xFFFFC000  }
0x79: {  	[spmem:s2] =	stream.indirect.scatter.add.f32 [tilespmem:s18], [sflag:$0x3], $0x80, s16, s17, $0xb8;
	[tilespmem:$0x1CA80] =	vst v63  }
0x7a: {  	_ =	swait.ge [sflag:s15], $0x4000  }
0x7b: {  	[sflag:s15] =	ssyncset.done $0x0  }
0x7c: {  	[sflag:s15] =	ssyncadd.s32 $0xFFFFC000  }
0x7d: {  	_ =	swait.ge [sflag:s23], $0x4000  }
0x7e: {  	[sflag:s23] =	ssyncset.done $0x0  }
0x7f: {  	[sflag:s23] =	ssyncadd.s32 $0xFFFFC000  }
0x80: {  	[spmem:s2] =	stream.indirect.scatter.add.f32 [tilespmem:s21], [sflag:$0x3], $0x80, s20, s17, $0xb8;
	[tilespmem:$0x1CA80] =	vst v63  }
0x81: {  	_ =	swait.ge [sflag:s15], $0x4000  }
0x82: {  	[sflag:s15] =	ssyncset.done $0x0  }
0x83: {  	[sflag:s15] =	ssyncadd.s32 $0xFFFFC000  }
0x84: {  	s25 =	simm.s32 @p0 $0x1FC3;
	[bflag:$0x0] =	sbarrier.arrive $0xFFFF  }
0x85: {  	[hbm:s7], [sflag:s25] =	dma.local @p0 [spmem:s11], $0x2080  }
0x86: {  	s25 =	simm.s32 @p0 $0x3  }
0x87: {  	s24 =	sadd.s32 $0x1, s24;
	_ =	swait.ge @p0 [sflag:s25], $0x2080  }
0x88: {  	p1 =	sne.s32 s24, s8;
	[sflag:s25] =	ssyncset.done @p0 $0x0  }
.Ltmp1:
0x89: {  	[sflag:s25] =	ssyncadd.s32 @p0 $0xFFFFDF80;
	s25 =	simm.s32 @!p0 $0x3;
	(pc) =	sbr.rel @p1 .LBB2_1-.Ltmp1, $4  }
0x8a: {  	[hbm:s6], [sflag:s12] =	dma.local @!p0 [spmem:s13], $0x2780  }
0x8b: {  	_ =	swait.ge @!p0 [sflag:s25], $0x2780  }
0x8c: {  	[sflag:s25] =	ssyncset.done @!p0 $0x0  }
0x8d: {  	[sflag:s25] =	ssyncadd.s32 @!p0 $0xFFFFD880  }
0x8e: {  	_ =	sfence.sel $0x180000  }
0x8f: {  	[bflag:$0x0] =	sbarrier.arrive $0xFFFF  }
0x90: {  	p0 =	sne.s32 s1, $0x0;
	_ =	strace $0x9000004A  }
0x91: {  	s0 =	sadd.s32 @!p0 $0x100000, s0;
	[bflag:$0x2] =	sbarrier.arrive $0xFFFF  }
0x92: {  	[sflag:s0] =	ssyncadd.tile.s32 @!p0 $0x1;
	_ =	shalt  }
.Lfunc_end2:
_tile_overlayer_lowered:
.L_overlay_start_2:
0x93: {  	(tag) =	ssettag $0x2  }
0x94: {  	s0 =	rddreg [dreg:$0x0];
	s2 =	stileid.u32  }
0x95: {  	s1 =	rddreg [dreg:$0x1];
	p0 =	sne.s32 s2, $0x0  }
0x96: {  	s3 =	rddreg [dreg:$0x2];
	[bflag:$0x3] =	sbarrier.arrive $0xFFFF;
	s2 =	simm.s32 @!p0 $0x1C03  }
0x97: {  	[timem:s3], [sflag:s2] =	dma.local @!p0 [hbm:s0], s1  }
0x98: {  	s0 =	simm.s32 @!p0 $0x3  }
0x99: {  	_ =	swait.ge @!p0 [sflag:s0], s1  }
0x9a: {  	s1 =	ssub.s32 @!p0 $0x0, s1;
	[sflag:s0] =	ssyncset.done @!p0 $0x0  }
0x9b: {  	[sflag:s0] =	ssyncadd.s32 @!p0 s1  }
0x9c: {  	[bflag:$0x3] =	sbarrier.arrive $0xFFFF  }
0x9d: {  	_ =	shalt  }

// kernel: kernel.16.cloned.1.call-start
scs
__scs_entry_jumppad:
0x0: {  	(pc) =	sbr.rel $0x88, $3  }
0x1: {  	(tag) =	ssettag $0x0;
	lr =	simm.s32 $0x1  }
0x2: {  	[smem:$0x3F96] =	sst lr;
	_ =	strace $0xD0000000  }
0x3: {  	_ = 	snop  }
0x4: {  	_ = 	snop  }
0x5: {  	_ = 	snop  }
0x6: {  	_ = 	snop  }
0x7: {  	_ = 	snop  }
__scs_overlays_trampoline_lowered:
0x8: {  	[smem:$0x3FA5] =	sst s0  }
0x9: {  	[smem:$0x3FA6] =	sst s1  }
0xa: {  	[smem:$0x3FA7] =	sst s2  }
0xb: {  	[smem:$0x3FA8] =	sst s3  }
0xc: {  	[smem:$0x3FA9] =	sst s4  }
0xd: {  	[smem:$0x3FAA] =	sst s5  }
0xe: {  	[smem:$0x3FAB] =	sst s6  }
0xf: {  	[smem:$0x3FAC] =	sst s7  }
0x10: {  	[smem:$0x3FAD] =	sst s8  }
0x11: {  	[smem:$0x3FAE] =	sst s9;
	s0 =	simm.s32 @!p0 $0x0  }
0x12: {  	s1 =	sld [smem:$0x3F94];
	s0 =	simm.s32 @p0 $0x1  }
0x13: {  	[smem:$0x3FAF] =	sst s0;
	s0 =	simm.s32 @!p1 $0x0  }
0x14: {  	s2 =	sld [smem:$0x3F93];
	s0 =	simm.s32 @p1 $0x1  }
0x15: {  	[smem:$0x3FB0] =	sst s0;
	s0 =	simm.s32 @!p2 $0x0  }
0x16: {  	s3 =	sld [smem:$0x3FDB];
	s0 =	simm.s32 @p2 $0x1  }
0x17: {  	s4 =	simm.s32 $0x1BF5;
	[smem:$0x3FB2] =	sst s0  }
0x18: {  	s0 =	sld [smem:$0x3F95];
	_ =	swait.ge [sflag:s4], $0x0  }
0x19: {  	s7 =	sld [smem:$0x3F96]  }
0x1a: {  	s8 =	sadd.s32 $0xFFFFE003, lr  }
0x1b: {  	s9 =	sadd.s32 $0xFFFFFEF7, lr;
	s5 =	simm.s32 $0xFFFFFFFF;
	p2 =	slt.u32 s8, $0xFFFFF086  }
0x1c: {  	p1 =	slt.u32 s9, $0xF7A;
	s5 =	simm.s32 @!p2 $0x0  }
0x1d: {  	s5 =	simm.s32 @p1 $0x1;
	p0 =	seq.s32 s7, s2  }
0x1e: {  	s7 =	smul.u32 @!p0 $0xF7A, s2;
	p2 =	seq.s32 @!p0 s5, $0x0  }
0x1f: {  	s9 =	smul.u32 $0xF7A, s1;
	s8 =	simm.s32 @!p0 $0x1BF5;
	p2 =	por !p2, p0  }
0x20: {  	[sflag:s8] =	ssyncset.s32 @!p0 $0xFFFFF086;
	s6 =	sadd.s32 @!p0 s3, s7;
	s7 =	simm.s32 @!p0 $0x108  }
0x21: {  	s3 =	sadd.s32 s3, s9;
	s6 =	sadd.s32 @!p0 $0x88, s6;
	s7 =	simm.s32 @p2 $0x1082  }
0x22: {  	[simem:s7], [sflag:s8] =	dma.local @!p0 [hbm:s6], $0xF7A  }
0x23: {  	s9 =	sor.u32 $0xD0000000, s2;
	s6 =	simm.s32 $0x108;
	_ =	swait.ge @!p0 [sflag:s8], $0x0  }
0x24: {  	s3 =	sadd.s32 $0x88, s3;
	s6 =	simm.s32 @!p1 $0x1082;
	[sflag:s4] =	ssyncset.s32 $0xFFFFF086  }
0x25: {  	[simem:s6], [sflag:s4] =	dma.local [hbm:s3], $0xF7A  }
0x26: {  	[smem:$0x3F96] =	sst s1;
	(tag) =	ssettag s2;
	_ =	strace s9  }
0x27: {  	s1 =	sld [smem:$0x3FA6]  }
0x28: {  	s2 =	sld [smem:$0x3FA7]  }
0x29: {  	s4 =	sld [smem:$0x3FA9]  }
0x2a: {  	p0 =	seq.s32 s5, $0x0;
	s5 =	sld [smem:$0x3FAA]  }
0x2b: {  	s6 =	sld [smem:$0x3FAB]  }
0x2c: {  	s7 =	sld [smem:$0x3FAC]  }
0x2d: {  	s3 =	simm.s32 $0x108;
	s8 =	sld [smem:$0x3FAD]  }
0x2e: {  	s3 =	simm.s32 @!p0 $0x1082;
	s9 =	sld [smem:$0x3FAE]  }
0x2f: {  	lr =	sadd.s32 s0, s3;
	s0 =	sld [smem:$0x3FA5]  }
0x30: {  	s3 =	sld [smem:$0x3FA8]  }
0x31: {  	[smem:$0x3FB1] =	sst s10  }
0x32: {  	s10 =	sld [smem:$0x3FAF];
	_ =	sdelay $0x3  }
0x33: {  	p0 =	seq.s32 s10, $0x1;
	s10 =	sld [smem:$0x3FB1];
	_ =	sdelay $0x3  }
0x34: {  	[smem:$0x3FB1] =	sst s10  }
0x35: {  	s10 =	sld [smem:$0x3FB0];
	_ =	sdelay $0x3  }
0x36: {  	p1 =	seq.s32 s10, $0x1;
	s10 =	sld [smem:$0x3FB1];
	_ =	sdelay $0x3  }
0x37: {  	[smem:$0x3FB1] =	sst s10  }
0x38: {  	s10 =	sld [smem:$0x3FB2]  }
0x39: {  	_ = 	snop;
	(pc) =	sbr.ind lr, $3  }
0x3a: {  	_ = 	snop  }
0x3b: {  	_ = 	snop  }
0x3c: {  	p2 =	seq.s32 s10, $0x1;
	s10 =	sld [smem:$0x3FB1]  }
0x3d: {  	_ =	shalt  }
0x3e: {  	_ =	shalt  }
0x3f: {  	_ =	shalt  }
0x40: {  	_ =	shalt  }
0x41: {  	_ =	shalt  }
0x42: {  	_ =	shalt  }
0x43: {  	_ =	shalt  }
0x44: {  	_ =	shalt  }
0x45: {  	_ =	shalt  }
0x46: {  	_ =	shalt  }
0x47: {  	_ =	shalt  }
0x48: {  	_ =	shalt  }
0x49: {  	_ =	shalt  }
0x4a: {  	_ =	shalt  }
0x4b: {  	_ =	shalt  }
0x4c: {  	_ =	shalt  }
0x4d: {  	_ =	shalt  }
0x4e: {  	_ =	shalt  }
0x4f: {  	_ =	shalt  }
0x50: {  	_ =	shalt  }
0x51: {  	_ =	shalt  }
0x52: {  	_ =	shalt  }
0x53: {  	_ =	shalt  }
0x54: {  	_ =	shalt  }
0x55: {  	_ =	shalt  }
0x56: {  	_ =	shalt  }
0x57: {  	_ =	shalt  }
0x58: {  	_ =	shalt  }
0x59: {  	_ =	shalt  }
0x5a: {  	_ =	shalt  }
0x5b: {  	_ =	shalt  }
0x5c: {  	_ =	shalt  }
0x5d: {  	_ =	shalt  }
0x5e: {  	_ =	shalt  }
0x5f: {  	_ =	shalt  }
0x60: {  	_ =	shalt  }
0x61: {  	_ =	shalt  }
0x62: {  	_ =	shalt  }
0x63: {  	_ =	shalt  }
0x64: {  	_ =	shalt  }
0x65: {  	_ =	shalt  }
0x66: {  	_ =	shalt  }
0x67: {  	_ =	shalt  }
0x68: {  	_ =	shalt  }
0x69: {  	_ =	shalt  }
0x6a: {  	_ =	shalt  }
0x6b: {  	_ =	shalt  }
0x6c: {  	_ =	shalt  }
0x6d: {  	_ =	shalt  }
0x6e: {  	_ =	shalt  }
0x6f: {  	_ =	shalt  }
0x70: {  	_ =	shalt  }
0x71: {  	_ =	shalt  }
0x72: {  	_ =	shalt  }
0x73: {  	_ =	shalt  }
0x74: {  	_ =	shalt  }
0x75: {  	_ =	shalt  }
0x76: {  	_ =	shalt  }
0x77: {  	_ =	shalt  }
0x78: {  	_ =	shalt  }
0x79: {  	_ =	shalt  }
0x7a: {  	_ =	shalt  }
0x7b: {  	_ =	shalt  }
0x7c: {  	_ =	shalt  }
0x7d: {  	_ =	shalt  }
0x7e: {  	_ =	shalt  }
0x7f: {  	_ =	shalt  }
0x80: {  	_ =	shalt  }
0x81: {  	_ =	shalt  }
0x82: {  	_ =	shalt  }
0x83: {  	_ =	shalt  }
0x84: {  	_ =	shalt  }
0x85: {  	_ =	shalt  }
0x86: {  	_ =	shalt  }
0x87: {  	_ =	shalt  }
.Lfunc_end0:
.L_simem_size_0:
called_computation.2_lowered:
.L_overlay_start_0:
0x88: {  	s2 =	sld [smem:$0x3FD9]  }
0x89: {  	s3 =	sld [smem:$0x3FFE];
	_ =	sdelay $0x1  }
0x8a: {  	s1 =	srdreg.scid  }
0x8b: {  	s0 =	sand.u32 $0x1, s1  }
0x8c: {  	s17 =	sshll.u32 s0, $0xA;
	s2 =	sadd.s32 s3, s2  }
0x8d: {  	s2 =	sadd.s32 s2, s17  }
0x8e: {  	[smem:$0x3FBD] =	sst s2  }
0x8f: {  	_ = 	snop  }
0x90: {  	s2 =	sld [smem:$0x3FD0];
	(tm) =	ssettm $0x1  }
0x91: {  	s18 =	sld [smem:$0x3FFB];
	_ =	sdelay $0x3  }
0x92: {  	_ =	strace s18  }
0x93: {  	s3 =	sld [smem:$0x3FFC];
	_ =	sdelay $0x3  }
0x94: {  	_ =	strace s3  }
0x95: {  	s3 =	sld [smem:$0x3FFD];
	_ =	sdelay $0x3  }
0x96: {  	_ =	strace s3  }
0x97: {  	_ =	strace $0x8FFFFFFF  }
0x98: {  	s19 =	sld [smem:$0x3FDB];
	_ =	sdelay $0x1  }
0x99: {  	s4 =	simm.s32 $_scs_section_size  }
0x9a: {  	s5 =	simm.s32 $_size__tile_overlayer_lowered;
	s6 =	simm.s32 $_tile_overlayer_lowered  }
0x9b: {  	s22 =	simm.s32 $0x1BFF;
	s21 =	sshll.u32 s6, $0x1;
	s3 =	sadd.s32 s4, s19  }
0x9c: {  	s7 =	simm.s32 $0x0;
	s20 =	sshll.u32 s5, $0x1;
	s5 =	sadd.s32 s21, s3  }
0x9d: {  	[timem:s7], [sflag:s22] =	dma.local [hbm:s5], s20  }
0x9e: {  	_ =	swait.ge [sflag:s22], s20  }
0x9f: {  	s4 =	ssub.s32 $0x0, s20;
	[sflag:s22] =	ssyncset.done $0x0  }
0xa0: {  	[sflag:s22] =	ssyncadd.s32 s4;
	_ =	sdelay $0x1  }
0xa1: {  	s23 =	simm.s32 $0x1B8B  }
0xa2: {  	_ =	swait.ge [sflag:s23], $0x1  }
0xa3: {  	[sflag:s23] =	ssyncset.done $0x0  }
0xa4: {  	s25 =	simm.s32 $0x1B8E;
	s24 =	sld [smem:$0x3FFE];
	[sflag:s23] =	ssyncadd.s32 $0xFFFFFFFF  }
0xa5: {  	s26 =	simm.s32 $execute0_lowered;
	[smem:$0x3FD2] =	sst s25  }
0xa6: {  	s5 =	sshll.u32 s26, $0x1;
	_ =	strace $0x8000004C;
	[dreg:$0x1] =	wrdreg $0xFFFFFFFF  }
0xa7: {  	s28 =	simm.s32 $_size_execute0_lowered;
	s3 =	sadd.s32 s3, s5;
	[dreg:$0x0] =	wrdreg $0x0  }
0xa8: {  	s5 =	sshll.u32 s28, $0x1;
	[dreg:$0x2] =	wrdreg s3  }
0xa9: {  	[dreg:$0x3] =	wrdreg s5  }
0xaa: {  	[dreg:$0x4] =	wrdreg $0xC0  }
0xab: {  	_ =	task [dreg:s7], $0x5FFFF  }
0xac: {  	[dreg:$0x1] =	wrdreg $0xFFFFFFFF  }
0xad: {  	[dreg:$0x0] =	wrdreg $0x60  }
0xae: {  	[dreg:$0x2] =	wrdreg s24  }
0xaf: {  	[dreg:$0x3] =	wrdreg s2  }
0xb0: {  	[dreg:$0x4] =	wrdreg $0x0  }
0xb1: {  	[dreg:$0x5] =	wrdreg $0x9  }
0xb2: {  	_ =	task.clear_ibuf [dreg:s7], $0x6FFFF;
	_ =	strace $0x9000004C  }
0xb3: {  	s29 =	simm.s32 $0x9;
	_ =	strace $0x8000004E  }
0xb4: {  	_ =	swait.ge [sflag:s29], $0x1  }
0xb5: {  	[sflag:s29] =	ssyncadd.s32 $0xFFFFFFFF  }
0xb6: {  	_ =	strace $0x9000004E  }
0xb7: {  	_ =	sfence  }
0xb8: {  	s30 =	sld [smem:$0x0];
	_ =	sdelay $0x2  }
0xb9: {  	s31 =	sshll.u32 s1, $0xD;
	s1 =	sshrl.u32 s1, $0x2  }
0xba: {  	s3 =	sand.u32 $0x4000, s31;
	s1 =	sadd.s32 s1, s30  }
0xbb: {  	s0 =	sor.u32 s3, s0;
	s1 =	sshll.u32 s1, $0x11  }
0xbc: {  	s0 =	sor.u32 s1, s0  }
0xbd: {  	s0 =	sadd.s32 $0x8F2B, s0  }
0xbe: {  	[sflag:s0] =	ssyncadd.remote.s32 $0x1  }
0xbf: {  	_ =	sfence.sel $0xFFFF  }
0xc0: {  	[dreg:$0x0] =	wrdreg $0xFFFFFFFF;
	(pc) =	sbr.abs _section_cstart, $3  }
0xc1: {  	[dreg:$0x1] =	wrdreg $0xFFFFFFFF  }
0xc2: {  	_ =	task.clear_ibuf [dreg:s7], $0x2FFFF;
	_ =	strace $0x9FFFFFFF  }
0xc3: {  	(tm) =	ssettm $0x7FFFFFFF  }
tec
execute0_lowered:
.L_overlay_start_1:
0x0: {  	(tag) =	ssettag $0x1  }
0x1: {  	s5 =	rddreg [dreg:$0x0]  }
0x2: {  	s6 =	rddreg [dreg:$0x1]  }
0x3: {  	s2 =	rddreg [dreg:$0x2]  }
0x4: {  	s0 =	rddreg [dreg:$0x3]  }
0x5: {  	s4 =	srdreg.scid;
	s1 =	stileid.u32  }
0x6: {  	s3 =	simm.s32 $0x0;
	s15 =	simm.s32 $0x3;
	s16 =	simm.s32 $0x14980  }
0x7: {  	s17 =	simm.s32 $0x80;
	s18 =	simm.s32 $0x14A80;
	s19 =	simm.s32 $0x14900  }
0x8: {  	s20 =	simm.s32 $0x14A00;
	s21 =	simm.s32 $0x18A80;
	s8 =	smul.u32 $0x5000, s1  }
0x9: {  	s22 =	simm.s32 $0x1;
	s23 =	simm.s32 $0x2;
	s29 =	smul.u32 $0x4F000, s1  }
0xa: {  	s24 =	simm.s32 $0x0;
	s7 =	sand.u32 $0x1, s4;
	s12 =	smul.u32 $0x13C00, s1  }
0xb: {  	[smem:$0x7FF] =	sst s3;
	s4 =	sadd.s32 $0x19400, s5;
	s9 =	smul.u32 $0x2800, s7  }
0xc: {  	p0 =	seq.s32 s1, $0xF;
	s10 =	ssub.s32 $0x2, s7;
	s7 =	smul.u32 $0x138800, s7  }
0xd: {  	_ =	strace $0x8000004D;
	s14 =	sshll.u32 @!p0 s1, $0x6;
	s30 =	sshrl.u32 s10, $0x1  }
0xe: {  	s8 =	sadd.s32 s9, s8;
	s9 =	sshrl.u32 s29, $0x2;
	s31 =	sadd.s32 s12, s7  }
0xf: {  	s7 =	sshrl.u32 s7, $0x3;
	s12 =	sadd.s32 $0x128400, s2;
	s8 =	sshrl.u32 s8, $0x3  }
0x10: {  	s13 =	sadd.s32 s9, s2;
	s9 =	sshrl.u32 s31, $0x3;
	s7 =	sadd.s32 s6, s7  }
0x11: {  	s11 =	sadd.s32 s8, s5;
	s5 =	sadd.s32 $0x40600, s5;
	s8 =	ssub.s32 s10, s30  }
0x12: {  	s6 =	sadd.s32 s6, s9;
	s7 =	sadd.s32 $0x25080, s7;
	s13 =	sshrl.u32 @!p0 s13, $0x3  }
0x13: {  	s8 =	smax.u32 s8, $0x1;
	s9 =	sadd.s32 $0x5400, s11;
	s10 =	sadd.s32 $0xF400, s11  }
0x14: {  	s11 =	sshrl.u32 @p0 s12, $0x3;
	s12 =	sor.u32 @!p0 $0x1C03, s14;
	s14 =	simm.s32 $0x14880  }
.LBB2_1:
0x15: {  	s25 =	simm.s32 @p0 $0x1FC3  }
0x16: {  	[spmem:s11], [sflag:s25] =	dma.local @p0 [hbm:s5], $0x2080  }
0x17: {  	s25 =	simm.s32 @p0 $0x3  }
0x18: {  	_ =	swait.ge @p0 [sflag:s25], $0x2080  }
0x19: {  	[sflag:s25] =	ssyncset.done @p0 $0x0  }
0x1a: {  	[sflag:s25] =	ssyncadd.s32 @p0 $0xFFFFDF80;
	s25 =	simm.s32 @!p0 $0x3  }
0x1b: {  	[spmem:s13], [sflag:s12] =	dma.local @!p0 [hbm:s5], $0x2780  }
0x1c: {  	_ =	swait.ge @!p0 [sflag:s25], $0x2780  }
0x1d: {  	[sflag:s25] =	ssyncset.done @!p0 $0x0  }
0x1e: {  	[sflag:s25] =	ssyncadd.s32 @!p0 $0xFFFFD880  }
0x1f: {  	s30 =	sadd.s32 $0x0, s9;
	[bflag:$0x0] =	sbarrier.arrive $0xFFFF  }
0x20: {  	[tilespmem:s14], [sflag:$0x3] =	stream.linear.gather [hbm4b:s30+s3], $0x80, $0x38;
	[tilespmem:$0x1CA80] =	vst v63  }
0x21: {  	_ =	swait.ge [sflag:s15], $0x80  }
0x22: {  	[sflag:s15] =	ssyncset.done $0x0  }
0x23: {  	s26 =	sadd.s32 $0x0, s10;
	[sflag:s15] =	ssyncadd.s32 $0xFFFFFF80  }
0x24: {  	[tilespmem:s16], [sflag:$0x3] =	stream.linear.gather [hbm4b:s26+s3], $0x80, $0x38;
	[tilespmem:$0x1CA80] =	vst v63  }
0x25: {  	_ =	swait.ge [sflag:s15], $0x80  }
0x26: {  	[sflag:s15] =	ssyncset.done $0x0  }
0x27: {  	[sflag:s15] =	ssyncadd.s32 $0xFFFFFF80  }
0x28: {  	[tilespmem:s18], [sflag:$0x1] =	stream.indirect.gather [hbm4b:s4+s17], $0x80, s14, s17, $0xb8;
	[tilespmem:$0x1CA80] =	vst v63  }
0x29: {  	s25 =	sadd.s32 $0x10, s30  }
0x2a: {  	[tilespmem:s19], [sflag:$0x3] =	stream.linear.gather [hbm4b:s25+s3], $0x80, $0x38;
	[tilespmem:$0x1CA80] =	vst v63  }
0x2b: {  	_ =	swait.ge [sflag:s15], $0x80  }
0x2c: {  	[sflag:s15] =	ssyncset.done $0x0  }
0x2d: {  	s31 =	sadd.s32 $0x10, s26;
	[sflag:s15] =	ssyncadd.s32 $0xFFFFFF80  }
0x2e: {  	[tilespmem:s20], [sflag:$0x3] =	stream.linear.gather [hbm4b:s31+s3], $0x80, $0x38;
	[tilespmem:$0x1CA80] =	vst v63  }
0x2f: {  	_ =	swait.ge [sflag:s15], $0x80  }
0x30: {  	[sflag:s15] =	ssyncset.done $0x0  }
0x31: {  	[sflag:s15] =	ssyncadd.s32 $0xFFFFFF80  }
0x32: {  	[tilespmem:s21], [sflag:$0x2] =	stream.indirect.gather [hbm4b:s4+s17], $0x80, s19, s17, $0xb8;
	[tilespmem:$0x1CA80] =	vst v63  }
0x33: {  	_ =	swait.ge [sflag:s22], $0x4000  }
0x34: {  	[sflag:s22] =	ssyncset.done $0x0  }
0x35: {  	[sflag:s22] =	ssyncadd.s32 $0xFFFFC000  }
0x36: {  	[spmem:s2] =	stream.indirect.scatter.add.f32 [tilespmem:s18], [sflag:$0x3], $0x80, s16, s17, $0xb8;
	[tilespmem:$0x1CA80] =	vst v63  }
0x37: {  	_ =	swait.ge [sflag:s15], $0x4000  }
0x38: {  	[sflag:s15] =	ssyncset.done $0x0  }
0x39: {  	[sflag:s15] =	ssyncadd.s32 $0xFFFFC000  }
0x3a: {  	_ =	swait.ge [sflag:s23], $0x4000  }
0x3b: {  	[sflag:s23] =	ssyncset.done $0x0  }
0x3c: {  	[sflag:s23] =	ssyncadd.s32 $0xFFFFC000  }
0x3d: {  	[spmem:s2] =	stream.indirect.scatter.add.f32 [tilespmem:s21], [sflag:$0x3], $0x80, s20, s17, $0xb8;
	[tilespmem:$0x1CA80] =	vst v63  }
0x3e: {  	_ =	swait.ge [sflag:s15], $0x4000  }
0x3f: {  	s28 =	simm.s32 $0x40;
	s25 =	simm.s32 $0x20;
	[sflag:s15] =	ssyncset.done $0x0  }
.LBB2_2:
0x40: {  	s29 =	sadd.s32 s25, s9  }
0x41: {  	[sflag:s15] =	ssyncadd.s32 $0xFFFFC000;
	s30 =	smov.u32 s28;
	s26 =	sadd.s32 $0x20, s28  }
0x42: {  	[tilespmem:s14], [sflag:$0x3] =	stream.linear.gather [hbm4b:s29+s3], $0x80, $0x38;
	[tilespmem:$0x1CA80] =	vst v63  }
0x43: {  	p1 =	sne.s32 s28, $0x4E0;
	_ =	swait.ge [sflag:s15], $0x80  }
0x44: {  	[sflag:s15] =	ssyncset.done $0x0  }
0x45: {  	s28 =	sadd.s32 s25, s10;
	s25 =	smov.u32 s30;
	[sflag:s15] =	ssyncadd.s32 $0xFFFFFF80  }
0x46: {  	[tilespmem:s16], [sflag:$0x3] =	stream.linear.gather [hbm4b:s28+s3], $0x80, $0x38;
	[tilespmem:$0x1CA80] =	vst v63  }
0x47: {  	_ =	swait.ge [sflag:s15], $0x80  }
0x48: {  	[sflag:s15] =	ssyncset.done $0x0  }
0x49: {  	[sflag:s15] =	ssyncadd.s32 $0xFFFFFF80  }
0x4a: {  	[tilespmem:s18], [sflag:$0x1] =	stream.indirect.gather [hbm4b:s4+s17], $0x80, s14, s17, $0xb8;
	[tilespmem:$0x1CA80] =	vst v63  }
0x4b: {  	s29 =	sadd.s32 $0x10, s29  }
0x4c: {  	[tilespmem:s19], [sflag:$0x3] =	stream.linear.gather [hbm4b:s29+s3], $0x80, $0x38;
	[tilespmem:$0x1CA80] =	vst v63  }
0x4d: {  	_ =	swait.ge [sflag:s15], $0x80  }
0x4e: {  	[sflag:s15] =	ssyncset.done $0x0  }
0x4f: {  	s28 =	sadd.s32 $0x10, s28;
	[sflag:s15] =	ssyncadd.s32 $0xFFFFFF80  }
0x50: {  	[tilespmem:s20], [sflag:$0x3] =	stream.linear.gather [hbm4b:s28+s3], $0x80, $0x38;
	[tilespmem:$0x1CA80] =	vst v63  }
0x51: {  	_ =	swait.ge [sflag:s15], $0x80  }
0x52: {  	[sflag:s15] =	ssyncset.done $0x0  }
0x53: {  	[sflag:s15] =	ssyncadd.s32 $0xFFFFFF80  }
0x54: {  	[tilespmem:s21], [sflag:$0x2] =	stream.indirect.gather [hbm4b:s4+s17], $0x80, s19, s17, $0xb8;
	[tilespmem:$0x1CA80] =	vst v63  }
0x55: {  	_ =	swait.ge [sflag:s22], $0x4000  }
0x56: {  	[sflag:s22] =	ssyncset.done $0x0  }
0x57: {  	[sflag:s22] =	ssyncadd.s32 $0xFFFFC000  }
0x58: {  	[spmem:s2] =	stream.indirect.scatter.add.f32 [tilespmem:s18], [sflag:$0x3], $0x80, s16, s17, $0xb8;
	[tilespmem:$0x1CA80] =	vst v63  }
0x59: {  	_ =	swait.ge [sflag:s15], $0x4000  }
0x5a: {  	[sflag:s15] =	ssyncset.done $0x0  }
0x5b: {  	[sflag:s15] =	ssyncadd.s32 $0xFFFFC000  }
0x5c: {  	_ =	swait.ge [sflag:s23], $0x4000  }
.Ltmp0:
0x5d: {  	[sflag:s23] =	ssyncset.done $0x0;
	(pc) =	sbr.rel @p1 .LBB2_2-.Ltmp0, $4  }
0x5e: {  	[sflag:s23] =	ssyncadd.s32 $0xFFFFC000  }
0x5f: {  	[spmem:s2] =	stream.indirect.scatter.add.f32 [tilespmem:s21], [sflag:$0x3], $0x80, s20, s17, $0xb8;
	[tilespmem:$0x1CA80] =	vst v63  }
0x60: {  	_ =	swait.ge [sflag:s15], $0x4000  }
0x61: {  	s28 =	smov.u32 s26;
	[sflag:s15] =	ssyncset.done $0x0  }
0x62: {  	s26 =	sadd.s32 s25, s9;
	[sflag:s15] =	ssyncadd.s32 $0xFFFFC000  }
0x63: {  	[tilespmem:s14], [sflag:$0x3] =	stream.linear.gather [hbm4b:s26+s3], $0x80, $0x38;
	[tilespmem:$0x1CA80] =	vst v63  }
0x64: {  	_ =	swait.ge [sflag:s15], $0x80  }
0x65: {  	[sflag:s15] =	ssyncset.done $0x0  }
0x66: {  	s31 =	sadd.s32 s25, s10;
	[sflag:s15] =	ssyncadd.s32 $0xFFFFFF80  }
0x67: {  	[tilespmem:s16], [sflag:$0x3] =	stream.linear.gather [hbm4b:s31+s3], $0x80, $0x38;
	[tilespmem:$0x1CA80] =	vst v63  }
0x68: {  	_ =	swait.ge [sflag:s15], $0x80  }
0x69: {  	[sflag:s15] =	ssyncset.done $0x0  }
0x6a: {  	[sflag:s15] =	ssyncadd.s32 $0xFFFFFF80  }
0x6b: {  	[tilespmem:s18], [sflag:$0x1] =	stream.indirect.gather [hbm4b:s4+s17], $0x80, s14, s17, $0xb8;
	[tilespmem:$0x1CA80] =	vst v63  }
0x6c: {  	s26 =	sadd.s32 $0x10, s26  }
0x6d: {  	[tilespmem:s19], [sflag:$0x3] =	stream.linear.gather [hbm4b:s26+s3], $0x80, $0x38;
	[tilespmem:$0x1CA80] =	vst v63  }
0x6e: {  	_ =	swait.ge [sflag:s15], $0x80  }
0x6f: {  	[sflag:s15] =	ssyncset.done $0x0  }
0x70: {  	s25 =	sadd.s32 $0x10, s31;
	[sflag:s15] =	ssyncadd.s32 $0xFFFFFF80  }
0x71: {  	[tilespmem:s20], [sflag:$0x3] =	stream.linear.gather [hbm4b:s25+s3], $0x80, $0x38;
	[tilespmem:$0x1CA80] =	vst v63  }
0x72: {  	_ =	swait.ge [sflag:s15], $0x80  }
0x73: {  	[sflag:s15] =	ssyncset.done $0x0  }
0x74: {  	[sflag:s15] =	ssyncadd.s32 $0xFFFFFF80  }
0x75: {  	[tilespmem:s21], [sflag:$0x2] =	stream.indirect.gather [hbm4b:s4+s17], $0x80, s19, s17, $0xb8;
	[tilespmem:$0x1CA80] =	vst v63  }
0x76: {  	_ =	swait.ge [sflag:s22], $0x4000  }
0x77: {  	[sflag:s22] =	ssyncset.done $0x0  }
0x78: {  	[sflag:s22] =	ssyncadd.s32 $0xFFFFC000  }
0x79: {  	[spmem:s2] =	stream.indirect.scatter.add.f32 [tilespmem:s18], [sflag:$0x3], $0x80, s16, s17, $0xb8;
	[tilespmem:$0x1CA80] =	vst v63  }
0x7a: {  	_ =	swait.ge [sflag:s15], $0x4000  }
0x7b: {  	[sflag:s15] =	ssyncset.done $0x0  }
0x7c: {  	[sflag:s15] =	ssyncadd.s32 $0xFFFFC000  }
0x7d: {  	_ =	swait.ge [sflag:s23], $0x4000  }
0x7e: {  	[sflag:s23] =	ssyncset.done $0x0  }
0x7f: {  	[sflag:s23] =	ssyncadd.s32 $0xFFFFC000  }
0x80: {  	[spmem:s2] =	stream.indirect.scatter.add.f32 [tilespmem:s21], [sflag:$0x3], $0x80, s20, s17, $0xb8;
	[tilespmem:$0x1CA80] =	vst v63  }
0x81: {  	_ =	swait.ge [sflag:s15], $0x4000  }
0x82: {  	[sflag:s15] =	ssyncset.done $0x0  }
0x83: {  	[sflag:s15] =	ssyncadd.s32 $0xFFFFC000  }
0x84: {  	s25 =	simm.s32 @p0 $0x1FC3;
	[bflag:$0x0] =	sbarrier.arrive $0xFFFF  }
0x85: {  	[hbm:s7], [sflag:s25] =	dma.local @p0 [spmem:s11], $0x2080  }
0x86: {  	s25 =	simm.s32 @p0 $0x3  }
0x87: {  	s24 =	sadd.s32 $0x1, s24;
	_ =	swait.ge @p0 [sflag:s25], $0x2080  }
0x88: {  	p1 =	sne.s32 s24, s8;
	[sflag:s25] =	ssyncset.done @p0 $0x0  }
.Ltmp1:
0x89: {  	[sflag:s25] =	ssyncadd.s32 @p0 $0xFFFFDF80;
	s25 =	simm.s32 @!p0 $0x3;
	(pc) =	sbr.rel @p1 .LBB2_1-.Ltmp1, $4  }
0x8a: {  	[hbm:s6], [sflag:s12] =	dma.local @!p0 [spmem:s13], $0x2780  }
0x8b: {  	_ =	swait.ge @!p0 [sflag:s25], $0x2780  }
0x8c: {  	[sflag:s25] =	ssyncset.done @!p0 $0x0  }
0x8d: {  	[sflag:s25] =	ssyncadd.s32 @!p0 $0xFFFFD880  }
0x8e: {  	_ =	sfence.sel $0x180000  }
0x8f: {  	[bflag:$0x0] =	sbarrier.arrive $0xFFFF  }
0x90: {  	p0 =	sne.s32 s1, $0x0;
	_ =	strace $0x9000004D  }
0x91: {  	s0 =	sadd.s32 @!p0 $0x100000, s0;
	[bflag:$0x2] =	sbarrier.arrive $0xFFFF  }
0x92: {  	[sflag:s0] =	ssyncadd.tile.s32 @!p0 $0x1;
	_ =	shalt  }
.Lfunc_end2:
_tile_overlayer_lowered:
.L_overlay_start_2:
0x93: {  	(tag) =	ssettag $0x2  }
0x94: {  	s0 =	rddreg [dreg:$0x0];
	s2 =	stileid.u32  }
0x95: {  	s1 =	rddreg [dreg:$0x1];
	p0 =	sne.s32 s2, $0x0  }
0x96: {  	s3 =	rddreg [dreg:$0x2];
	[bflag:$0x3] =	sbarrier.arrive $0xFFFF;
	s2 =	simm.s32 @!p0 $0x1C03  }
0x97: {  	[timem:s3], [sflag:s2] =	dma.local @!p0 [hbm:s0], s1  }
0x98: {  	s0 =	simm.s32 @!p0 $0x3  }
0x99: {  	_ =	swait.ge @!p0 [sflag:s0], s1  }
0x9a: {  	s1 =	ssub.s32 @!p0 $0x0, s1;
	[sflag:s0] =	ssyncset.done @!p0 $0x0  }
0x9b: {  	[sflag:s0] =	ssyncadd.s32 @!p0 s1  }
0x9c: {  	[bflag:$0x3] =	sbarrier.arrive $0xFFFF  }
0x9d: {  	_ =	shalt  }

// kernel: kernel.19.cloned.1.call-start
scs
__scs_entry_jumppad:
0x0: {  	(pc) =	sbr.rel $0x88, $3  }
0x1: {  	(tag) =	ssettag $0x0;
	lr =	simm.s32 $0x1  }
0x2: {  	[smem:$0x3F96] =	sst lr;
	_ =	strace $0xD0000000  }
0x3: {  	_ = 	snop  }
0x4: {  	_ = 	snop  }
0x5: {  	_ = 	snop  }
0x6: {  	_ = 	snop  }
0x7: {  	_ = 	snop  }
__scs_overlays_trampoline_lowered:
0x8: {  	[smem:$0x3FA5] =	sst s0  }
0x9: {  	[smem:$0x3FA6] =	sst s1  }
0xa: {  	[smem:$0x3FA7] =	sst s2  }
0xb: {  	[smem:$0x3FA8] =	sst s3  }
0xc: {  	[smem:$0x3FA9] =	sst s4  }
0xd: {  	[smem:$0x3FAA] =	sst s5  }
0xe: {  	[smem:$0x3FAB] =	sst s6  }
0xf: {  	[smem:$0x3FAC] =	sst s7  }
0x10: {  	[smem:$0x3FAD] =	sst s8  }
0x11: {  	[smem:$0x3FAE] =	sst s9;
	s0 =	simm.s32 @!p0 $0x0  }
0x12: {  	s1 =	sld [smem:$0x3F94];
	s0 =	simm.s32 @p0 $0x1  }
0x13: {  	[smem:$0x3FAF] =	sst s0;
	s0 =	simm.s32 @!p1 $0x0  }
0x14: {  	s2 =	sld [smem:$0x3F93];
	s0 =	simm.s32 @p1 $0x1  }
0x15: {  	[smem:$0x3FB0] =	sst s0;
	s0 =	simm.s32 @!p2 $0x0  }
0x16: {  	s3 =	sld [smem:$0x3FDB];
	s0 =	simm.s32 @p2 $0x1  }
0x17: {  	s4 =	simm.s32 $0x1BF5;
	[smem:$0x3FB2] =	sst s0  }
0x18: {  	s0 =	sld [smem:$0x3F95];
	_ =	swait.ge [sflag:s4], $0x0  }
0x19: {  	s7 =	sld [smem:$0x3F96]  }
0x1a: {  	s8 =	sadd.s32 $0xFFFFE003, lr  }
0x1b: {  	s9 =	sadd.s32 $0xFFFFFEF7, lr;
	s5 =	simm.s32 $0xFFFFFFFF;
	p2 =	slt.u32 s8, $0xFFFFF086  }
0x1c: {  	p1 =	slt.u32 s9, $0xF7A;
	s5 =	simm.s32 @!p2 $0x0  }
0x1d: {  	s5 =	simm.s32 @p1 $0x1;
	p0 =	seq.s32 s7, s2  }
0x1e: {  	s7 =	smul.u32 @!p0 $0xF7A, s2;
	p2 =	seq.s32 @!p0 s5, $0x0  }
0x1f: {  	s9 =	smul.u32 $0xF7A, s1;
	s8 =	simm.s32 @!p0 $0x1BF5;
	p2 =	por !p2, p0  }
0x20: {  	[sflag:s8] =	ssyncset.s32 @!p0 $0xFFFFF086;
	s6 =	sadd.s32 @!p0 s3, s7;
	s7 =	simm.s32 @!p0 $0x108  }
0x21: {  	s3 =	sadd.s32 s3, s9;
	s6 =	sadd.s32 @!p0 $0x88, s6;
	s7 =	simm.s32 @p2 $0x1082  }
0x22: {  	[simem:s7], [sflag:s8] =	dma.local @!p0 [hbm:s6], $0xF7A  }
0x23: {  	s9 =	sor.u32 $0xD0000000, s2;
	s6 =	simm.s32 $0x108;
	_ =	swait.ge @!p0 [sflag:s8], $0x0  }
0x24: {  	s3 =	sadd.s32 $0x88, s3;
	s6 =	simm.s32 @!p1 $0x1082;
	[sflag:s4] =	ssyncset.s32 $0xFFFFF086  }
0x25: {  	[simem:s6], [sflag:s4] =	dma.local [hbm:s3], $0xF7A  }
0x26: {  	[smem:$0x3F96] =	sst s1;
	(tag) =	ssettag s2;
	_ =	strace s9  }
0x27: {  	s1 =	sld [smem:$0x3FA6]  }
0x28: {  	s2 =	sld [smem:$0x3FA7]  }
0x29: {  	s4 =	sld [smem:$0x3FA9]  }
0x2a: {  	p0 =	seq.s32 s5, $0x0;
	s5 =	sld [smem:$0x3FAA]  }
0x2b: {  	s6 =	sld [smem:$0x3FAB]  }
0x2c: {  	s7 =	sld [smem:$0x3FAC]  }
0x2d: {  	s3 =	simm.s32 $0x108;
	s8 =	sld [smem:$0x3FAD]  }
0x2e: {  	s3 =	simm.s32 @!p0 $0x1082;
	s9 =	sld [smem:$0x3FAE]  }
0x2f: {  	lr =	sadd.s32 s0, s3;
	s0 =	sld [smem:$0x3FA5]  }
0x30: {  	s3 =	sld [smem:$0x3FA8]  }
0x31: {  	[smem:$0x3FB1] =	sst s10  }
0x32: {  	s10 =	sld [smem:$0x3FAF];
	_ =	sdelay $0x3  }
0x33: {  	p0 =	seq.s32 s10, $0x1;
	s10 =	sld [smem:$0x3FB1];
	_ =	sdelay $0x3  }
0x34: {  	[smem:$0x3FB1] =	sst s10  }
0x35: {  	s10 =	sld [smem:$0x3FB0];
	_ =	sdelay $0x3  }
0x36: {  	p1 =	seq.s32 s10, $0x1;
	s10 =	sld [smem:$0x3FB1];
	_ =	sdelay $0x3  }
0x37: {  	[smem:$0x3FB1] =	sst s10  }
0x38: {  	s10 =	sld [smem:$0x3FB2]  }
0x39: {  	_ = 	snop;
	(pc) =	sbr.ind lr, $3  }
0x3a: {  	_ = 	snop  }
0x3b: {  	_ = 	snop  }
0x3c: {  	p2 =	seq.s32 s10, $0x1;
	s10 =	sld [smem:$0x3FB1]  }
0x3d: {  	_ =	shalt  }
0x3e: {  	_ =	shalt  }
0x3f: {  	_ =	shalt  }
0x40: {  	_ =	shalt  }
0x41: {  	_ =	shalt  }
0x42: {  	_ =	shalt  }
0x43: {  	_ =	shalt  }
0x44: {  	_ =	shalt  }
0x45: {  	_ =	shalt  }
0x46: {  	_ =	shalt  }
0x47: {  	_ =	shalt  }
0x48: {  	_ =	shalt  }
0x49: {  	_ =	shalt  }
0x4a: {  	_ =	shalt  }
0x4b: {  	_ =	shalt  }
0x4c: {  	_ =	shalt  }
0x4d: {  	_ =	shalt  }
0x4e: {  	_ =	shalt  }
0x4f: {  	_ =	shalt  }
0x50: {  	_ =	shalt  }
0x51: {  	_ =	shalt  }
0x52: {  	_ =	shalt  }
0x53: {  	_ =	shalt  }
0x54: {  	_ =	shalt  }
0x55: {  	_ =	shalt  }
0x56: {  	_ =	shalt  }
0x57: {  	_ =	shalt  }
0x58: {  	_ =	shalt  }
0x59: {  	_ =	shalt  }
0x5a: {  	_ =	shalt  }
0x5b: {  	_ =	shalt  }
0x5c: {  	_ =	shalt  }
0x5d: {  	_ =	shalt  }
0x5e: {  	_ =	shalt  }
0x5f: {  	_ =	shalt  }
0x60: {  	_ =	shalt  }
0x61: {  	_ =	shalt  }
0x62: {  	_ =	shalt  }
0x63: {  	_ =	shalt  }
0x64: {  	_ =	shalt  }
0x65: {  	_ =	shalt  }
0x66: {  	_ =	shalt  }
0x67: {  	_ =	shalt  }
0x68: {  	_ =	shalt  }
0x69: {  	_ =	shalt  }
0x6a: {  	_ =	shalt  }
0x6b: {  	_ =	shalt  }
0x6c: {  	_ =	shalt  }
0x6d: {  	_ =	shalt  }
0x6e: {  	_ =	shalt  }
0x6f: {  	_ =	shalt  }
0x70: {  	_ =	shalt  }
0x71: {  	_ =	shalt  }
0x72: {  	_ =	shalt  }
0x73: {  	_ =	shalt  }
0x74: {  	_ =	shalt  }
0x75: {  	_ =	shalt  }
0x76: {  	_ =	shalt  }
0x77: {  	_ =	shalt  }
0x78: {  	_ =	shalt  }
0x79: {  	_ =	shalt  }
0x7a: {  	_ =	shalt  }
0x7b: {  	_ =	shalt  }
0x7c: {  	_ =	shalt  }
0x7d: {  	_ =	shalt  }
0x7e: {  	_ =	shalt  }
0x7f: {  	_ =	shalt  }
0x80: {  	_ =	shalt  }
0x81: {  	_ =	shalt  }
0x82: {  	_ =	shalt  }
0x83: {  	_ =	shalt  }
0x84: {  	_ =	shalt  }
0x85: {  	_ =	shalt  }
0x86: {  	_ =	shalt  }
0x87: {  	_ =	shalt  }
.Lfunc_end0:
.L_simem_size_0:
called_computation.3_lowered:
.L_overlay_start_0:
0x88: {  	s2 =	sld [smem:$0x3FD9]  }
0x89: {  	s3 =	sld [smem:$0x3FFE];
	_ =	sdelay $0x1  }
0x8a: {  	s1 =	srdreg.scid  }
0x8b: {  	s0 =	sand.u32 $0x1, s1  }
0x8c: {  	s17 =	sshll.u32 s0, $0xA;
	s2 =	sadd.s32 s3, s2  }
0x8d: {  	s2 =	sadd.s32 s2, s17  }
0x8e: {  	[smem:$0x3FBD] =	sst s2  }
0x8f: {  	_ = 	snop  }
0x90: {  	s2 =	sld [smem:$0x3FD0];
	(tm) =	ssettm $0x1  }
0x91: {  	s18 =	sld [smem:$0x3FFB];
	_ =	sdelay $0x3  }
0x92: {  	_ =	strace s18  }
0x93: {  	s3 =	sld [smem:$0x3FFC];
	_ =	sdelay $0x3  }
0x94: {  	_ =	strace s3  }
0x95: {  	s3 =	sld [smem:$0x3FFD];
	_ =	sdelay $0x3  }
0x96: {  	_ =	strace s3  }
0x97: {  	_ =	strace $0x8FFFFFFF  }
0x98: {  	s19 =	sld [smem:$0x3FDB];
	_ =	sdelay $0x1  }
0x99: {  	s4 =	simm.s32 $_scs_section_size  }
0x9a: {  	s5 =	simm.s32 $_size__tile_overlayer_lowered;
	s6 =	simm.s32 $_tile_overlayer_lowered  }
0x9b: {  	s22 =	simm.s32 $0x1BFF;
	s21 =	sshll.u32 s6, $0x1;
	s3 =	sadd.s32 s4, s19  }
0x9c: {  	s7 =	simm.s32 $0x0;
	s20 =	sshll.u32 s5, $0x1;
	s5 =	sadd.s32 s21, s3  }
0x9d: {  	[timem:s7], [sflag:s22] =	dma.local [hbm:s5], s20  }
0x9e: {  	_ =	swait.ge [sflag:s22], s20  }
0x9f: {  	s4 =	ssub.s32 $0x0, s20;
	[sflag:s22] =	ssyncset.done $0x0  }
0xa0: {  	[sflag:s22] =	ssyncadd.s32 s4;
	_ =	sdelay $0x1  }
0xa1: {  	s23 =	simm.s32 $0x1B8B  }
0xa2: {  	_ =	swait.ge [sflag:s23], $0x1  }
0xa3: {  	[sflag:s23] =	ssyncset.done $0x0  }
0xa4: {  	s25 =	simm.s32 $0x1B8E;
	s24 =	sld [smem:$0x3FFE];
	[sflag:s23] =	ssyncadd.s32 $0xFFFFFFFF  }
0xa5: {  	s26 =	simm.s32 $execute0_lowered;
	[smem:$0x3FD2] =	sst s25  }
0xa6: {  	s5 =	sshll.u32 s26, $0x1;
	_ =	strace $0x8000004F;
	[dreg:$0x1] =	wrdreg $0xFFFFFFFF  }
0xa7: {  	s28 =	simm.s32 $_size_execute0_lowered;
	s3 =	sadd.s32 s3, s5;
	[dreg:$0x0] =	wrdreg $0x0  }
0xa8: {  	s5 =	sshll.u32 s28, $0x1;
	[dreg:$0x2] =	wrdreg s3  }
0xa9: {  	[dreg:$0x3] =	wrdreg s5  }
0xaa: {  	[dreg:$0x4] =	wrdreg $0xC0  }
0xab: {  	_ =	task [dreg:s7], $0x5FFFF  }
0xac: {  	[dreg:$0x1] =	wrdreg $0xFFFFFFFF  }
0xad: {  	[dreg:$0x0] =	wrdreg $0x60  }
0xae: {  	[dreg:$0x2] =	wrdreg s2  }
0xaf: {  	[dreg:$0x3] =	wrdreg s24  }
0xb0: {  	[dreg:$0x4] =	wrdreg $0x9  }
0xb1: {  	_ =	task.clear_ibuf [dreg:s7], $0x5FFFF;
	_ =	strace $0x9000004F  }
0xb2: {  	s29 =	simm.s32 $0x9;
	_ =	strace $0x80000051  }
0xb3: {  	_ =	swait.ge [sflag:s29], $0x1  }
0xb4: {  	[sflag:s29] =	ssyncadd.s32 $0xFFFFFFFF  }
0xb5: {  	_ =	strace $0x90000051  }
0xb6: {  	_ =	sfence  }
0xb7: {  	s30 =	sld [smem:$0x0];
	_ =	sdelay $0x2  }
0xb8: {  	s31 =	sshll.u32 s1, $0xD;
	s1 =	sshrl.u32 s1, $0x2  }
0xb9: {  	s3 =	sand.u32 $0x4000, s31;
	s1 =	sadd.s32 s1, s30  }
0xba: {  	s0 =	sor.u32 s3, s0;
	s1 =	sshll.u32 s1, $0x11  }
0xbb: {  	s0 =	sor.u32 s1, s0  }
0xbc: {  	s0 =	sadd.s32 $0x8F2B, s0  }
0xbd: {  	[sflag:s0] =	ssyncadd.remote.s32 $0x1  }
0xbe: {  	_ =	sfence.sel $0xFFFF  }
0xbf: {  	[dreg:$0x0] =	wrdreg $0xFFFFFFFF;
	(pc) =	sbr.abs _section_cstart, $3  }
0xc0: {  	[dreg:$0x1] =	wrdreg $0xFFFFFFFF  }
0xc1: {  	_ =	task.clear_ibuf [dreg:s7], $0x2FFFF;
	_ =	strace $0x9FFFFFFF  }
0xc2: {  	(tm) =	ssettm $0x7FFFFFFF  }
0xc3: {  	_ =	shalt  }
tec
execute0_lowered:
.L_overlay_start_1:
0x0: {  	(tag) =	ssettag $0x1  }
0x1: {  	s2 =	rddreg [dreg:$0x0]  }
0x2: {  	s5 =	rddreg [dreg:$0x1]  }
0x3: {  	s0 =	rddreg [dreg:$0x2]  }
0x4: {  	s4 =	srdreg.scid;
	s1 =	stileid.u32;
	s3 =	simm.s32 $0x0  }
0x5: {  	s12 =	simm.s32 $0xA00;
	s13 =	simm.s32 $0x8A00;
	s14 =	simm.s32 $0x4A00  }
0x6: {  	s15 =	simm.s32 $0xCA00;
	s16 =	simm.s32 $0x1;
	s17 =	simm.s32 $0x3  }
0x7: {  	s18 =	simm.s32 $0x2;
	s19 =	simm.s32 $0x4;
	s20 =	simm.s32 $0x5  }
0x8: {  	s21 =	simm.s32 $0x0;
	s6 =	sand.u32 $0x1, s4;
	s26 =	sshll.u32 s1, $0x1  }
0x9: {  	[smem:$0x7FF] =	sst s3;
	s8 =	smul.u32 $0xA000, s1;
	s4 =	sor.u32 s6, s26  }
0xa: {  	_ =	strace $0x80000050;
	s9 =	ssub.s32 $0x2, s6;
	s11 =	smul.u32 $0x5000, s6  }
0xb: {  	s7 =	smul.u32 $0x500, s4;
	s10 =	sshrl.u32 s9, $0x1;
	s29 =	sadd.s32 s8, s5  }
0xc: {  	s4 =	sadd.s32 $0x4000, s5;
	s30 =	ssub.s32 s9, s10;
	s31 =	sadd.s32 s11, s29  }
0xd: {  	s10 =	simm.s32 $0x6;
	s11 =	simm.s32 $0x80;
	s7 =	sshrl.u32 s7, $0x3  }
0xe: {  	s8 =	sadd.s32 $0x45600, s31;
	s9 =	sadd.s32 $0xE5600, s31;
	s28 =	sadd.s32 s7, s5  }
0xf: {  	s7 =	smax.u32 s30, $0x1;
	s5 =	sadd.s32 $0x44200, s28;
	s6 =	sadd.s32 $0x42E00, s28  }
.LBB2_1:
0x10: {  	[tilespmem:s3], [sflag:$0x6] =	stream.linear.gather [hbm4b:s5+s3], $0x500, $0x38;
	[tilespmem:$0x10A00] =	vst v63  }
0x11: {  	_ =	swait.ge [sflag:s10], $0x500  }
0x12: {  	[sflag:s10] =	ssyncset.done $0x0  }
0x13: {  	s22 =	simm.s32 $0x500;
	[sflag:s10] =	ssyncadd.s32 $0xFFFFFB00  }
0x14: {  	[tilespmem:s22], [sflag:$0x6] =	stream.linear.gather [hbm4b:s6+s3], $0x500, $0x38;
	[tilespmem:$0x10A00] =	vst v63  }
0x15: {  	_ =	swait.ge [sflag:s10], $0x500  }
0x16: {  	[sflag:s10] =	ssyncset.done $0x0  }
0x17: {  	[sflag:s10] =	ssyncadd.s32 $0xFFFFFB00  }
0x18: {  	[tilespmem:s12], [sflag:$0x1] =	stream.indirect.gather [hbm4b:s2+s11], $0x80, s3, s11, $0xb8;
	[tilespmem:$0x10A00] =	vst v63  }
0x19: {  	_ = 	snop  }
0x1a: {  	[tilespmem:s13], [sflag:$0x3] =	stream.indirect.gather [hbm4b:s4+s11], $0x80, s22, s11, $0xb8;
	[tilespmem:$0x10A00] =	vst v63  }
0x1b: {  	s23 =	simm.s32 $0x80  }
0x1c: {  	[tilespmem:s14], [sflag:$0x2] =	stream.indirect.gather [hbm4b:s2+s11], $0x80, s23, s11, $0xb8;
	[tilespmem:$0x10A00] =	vst v63  }
0x1d: {  	s29 =	simm.s32 $0x580  }
0x1e: {  	[tilespmem:s15], [sflag:$0x4] =	stream.indirect.gather [hbm4b:s4+s11], $0x80, s29, s11, $0xb8;
	[tilespmem:$0x10A00] =	vst v63  }
0x1f: {  	_ =	swait.ge [sflag:s16], $0x4000  }
0x20: {  	[sflag:s16] =	ssyncset.done $0x0  }
0x21: {  	s30 =	sadd.s32 $0x0, s8;
	[sflag:s16] =	ssyncadd.s32 $0xFFFFC000  }
0x22: {  	[hbm4b:s30+s3] =	stream.linear.scatter [tilespmem:s12], [sflag:$0x5], $0x4000, $0x38;
	[tilespmem:$0x10A00] =	vst v63  }
0x23: {  	_ =	swait.ge [sflag:s17], $0x4000  }
0x24: {  	[sflag:s17] =	ssyncset.done $0x0  }
0x25: {  	s24 =	sadd.s32 $0x0, s9;
	[sflag:s17] =	ssyncadd.s32 $0xFFFFC000  }
0x26: {  	[hbm4b:s24+s3] =	stream.linear.scatter [tilespmem:s13], [sflag:$0x5], $0x4000, $0x38;
	[tilespmem:$0x10A00] =	vst v63  }
0x27: {  	_ =	swait.ge [sflag:s18], $0x4000  }
0x28: {  	[sflag:s18] =	ssyncset.done $0x0  }
0x29: {  	s23 =	sadd.s32 $0x800, s30;
	[sflag:s18] =	ssyncadd.s32 $0xFFFFC000  }
0x2a: {  	[hbm4b:s23+s3] =	stream.linear.scatter [tilespmem:s14], [sflag:$0x5], $0x4000, $0x38;
	[tilespmem:$0x10A00] =	vst v63  }
0x2b: {  	_ =	swait.ge [sflag:s19], $0x4000  }
0x2c: {  	[sflag:s19] =	ssyncset.done $0x0  }
0x2d: {  	s31 =	sadd.s32 $0x800, s24;
	[sflag:s19] =	ssyncadd.s32 $0xFFFFC000  }
0x2e: {  	[hbm4b:s31+s3] =	stream.linear.scatter [tilespmem:s15], [sflag:$0x5], $0x4000, $0x38;
	[tilespmem:$0x10A00] =	vst v63  }
0x2f: {  	_ =	swait.ge [sflag:s20], $0x4000  }
0x30: {  	[sflag:s20] =	ssyncset.done $0x0  }
0x31: {  	[sflag:s20] =	ssyncadd.s32 $0xFFFFC000  }
0x32: {  	_ =	swait.ge [sflag:s20], $0x4000  }
0x33: {  	[sflag:s20] =	ssyncset.done $0x0  }
0x34: {  	[sflag:s20] =	ssyncadd.s32 $0xFFFFC000  }
0x35: {  	_ =	swait.ge [sflag:s20], $0x4000  }
0x36: {  	[sflag:s20] =	ssyncset.done $0x0  }
0x37: {  	[sflag:s20] =	ssyncadd.s32 $0xFFFFC000  }
0x38: {  	_ =	swait.ge [sflag:s20], $0x4000  }
0x39: {  	s24 =	simm.s32 $0x0;
	s23 =	simm.s32 $0x1000;
	[sflag:s20] =	ssyncset.done $0x0  }
.LBB2_2:
0x3a: {  	[sflag:s20] =	ssyncadd.s32 $0xFFFFC000;
	s22 =	sadd.s32 $0x100, s22;
	s24 =	sadd.s32 $0x100, s24  }
0x3b: {  	[tilespmem:s12], [sflag:$0x1] =	stream.indirect.gather [hbm4b:s2+s11], $0x80, s24, s11, $0xb8;
	[tilespmem:$0x10A00] =	vst v63  }
0x3c: {  	p0 =	sne.s32 s23, $0x4000;
	s25 =	smov.u32 s23;
	s23 =	sadd.s32 $0x1000, s23  }
0x3d: {  	[tilespmem:s13], [sflag:$0x3] =	stream.indirect.gather [hbm4b:s4+s11], $0x80, s22, s11, $0xb8;
	[tilespmem:$0x10A00] =	vst v63  }
0x3e: {  	s26 =	sadd.s32 $0x80, s24  }
0x3f: {  	[tilespmem:s14], [sflag:$0x2] =	stream.indirect.gather [hbm4b:s2+s11], $0x80, s26, s11, $0xb8;
	[tilespmem:$0x10A00] =	vst v63  }
0x40: {  	s26 =	sadd.s32 $0x80, s22  }
0x41: {  	[tilespmem:s15], [sflag:$0x4] =	stream.indirect.gather [hbm4b:s4+s11], $0x80, s26, s11, $0xb8;
	[tilespmem:$0x10A00] =	vst v63  }
0x42: {  	_ =	swait.ge [sflag:s16], $0x4000  }
0x43: {  	[sflag:s16] =	ssyncset.done $0x0  }
0x44: {  	s26 =	sadd.s32 s25, s8;
	[sflag:s16] =	ssyncadd.s32 $0xFFFFC000  }
0x45: {  	[hbm4b:s26+s3] =	stream.linear.scatter [tilespmem:s12], [sflag:$0x5], $0x4000, $0x38;
	[tilespmem:$0x10A00] =	vst v63  }
0x46: {  	_ =	swait.ge [sflag:s17], $0x4000  }
0x47: {  	[sflag:s17] =	ssyncset.done $0x0  }
0x48: {  	s25 =	sadd.s32 s25, s9;
	[sflag:s17] =	ssyncadd.s32 $0xFFFFC000  }
0x49: {  	[hbm4b:s25+s3] =	stream.linear.scatter [tilespmem:s13], [sflag:$0x5], $0x4000, $0x38;
	[tilespmem:$0x10A00] =	vst v63  }
0x4a: {  	_ =	swait.ge [sflag:s18], $0x4000  }
0x4b: {  	[sflag:s18] =	ssyncset.done $0x0  }
0x4c: {  	s26 =	sadd.s32 $0x800, s26;
	[sflag:s18] =	ssyncadd.s32 $0xFFFFC000  }
0x4d: {  	[hbm4b:s26+s3] =	stream.linear.scatter [tilespmem:s14], [sflag:$0x5], $0x4000, $0x38;
	[tilespmem:$0x10A00] =	vst v63  }
0x4e: {  	_ =	swait.ge [sflag:s19], $0x4000  }
0x4f: {  	[sflag:s19] =	ssyncset.done $0x0  }
0x50: {  	s25 =	sadd.s32 $0x800, s25;
	[sflag:s19] =	ssyncadd.s32 $0xFFFFC000  }
0x51: {  	[hbm4b:s25+s3] =	stream.linear.scatter [tilespmem:s15], [sflag:$0x5], $0x4000, $0x38;
	[tilespmem:$0x10A00] =	vst v63  }
0x52: {  	_ =	swait.ge [sflag:s20], $0x4000  }
0x53: {  	[sflag:s20] =	ssyncset.done $0x0  }
0x54: {  	[sflag:s20] =	ssyncadd.s32 $0xFFFFC000  }
0x55: {  	_ =	swait.ge [sflag:s20], $0x4000  }
0x56: {  	[sflag:s20] =	ssyncset.done $0x0  }
0x57: {  	[sflag:s20] =	ssyncadd.s32 $0xFFFFC000  }
.Ltmp0:
0x58: {  	_ =	swait.ge [sflag:s20], $0x4000;
	(pc) =	sbr.rel @p0 .LBB2_2-.Ltmp0, $4  }
0x59: {  	[sflag:s20] =	ssyncset.done $0x0  }
0x5a: {  	[sflag:s20] =	ssyncadd.s32 $0xFFFFC000  }
0x5b: {  	_ =	swait.ge [sflag:s20], $0x4000  }
0x5c: {  	[sflag:s20] =	ssyncset.done $0x0  }
0x5d: {  	s21 =	sadd.s32 $0x1, s21  }
0x5e: {  	p0 =	sne.s32 s21, s7  }
.Ltmp1:
0x5f: {  	_ = 	snop;
	(pc) =	sbr.rel @p0 .LBB2_1-.Ltmp1, $2  }
0x60: {  	_ =	sdelay $0x2  }
0x61: {  	[sflag:s20] =	ssyncadd.s32 $0xFFFFC000  }
0x62: {  	_ =	sfence.sel $0x180000  }
0x63: {  	[bflag:$0x0] =	sbarrier.arrive $0xFFFF  }
0x64: {  	p0 =	sne.s32 s1, $0x0;
	_ =	strace $0x90000050  }
0x65: {  	s0 =	sadd.s32 @!p0 $0x100000, s0;
	[bflag:$0x2] =	sbarrier.arrive $0xFFFF  }
0x66: {  	[sflag:s0] =	ssyncadd.tile.s32 @!p0 $0x1;
	_ =	shalt  }
.Lfunc_end2:
_tile_overlayer_lowered:
.L_overlay_start_2:
0x67: {  	(tag) =	ssettag $0x2  }
0x68: {  	s0 =	rddreg [dreg:$0x0];
	s2 =	stileid.u32  }
0x69: {  	s1 =	rddreg [dreg:$0x1];
	p0 =	sne.s32 s2, $0x0  }
0x6a: {  	s3 =	rddreg [dreg:$0x2];
	[bflag:$0x3] =	sbarrier.arrive $0xFFFF;
	s2 =	simm.s32 @!p0 $0x1C06  }
0x6b: {  	[timem:s3], [sflag:s2] =	dma.local @!p0 [hbm:s0], s1  }
0x6c: {  	s0 =	simm.s32 @!p0 $0x6  }
0x6d: {  	_ =	swait.ge @!p0 [sflag:s0], s1  }
0x6e: {  	s1 =	ssub.s32 @!p0 $0x0, s1;
	[sflag:s0] =	ssyncset.done @!p0 $0x0  }
0x6f: {  	[sflag:s0] =	ssyncadd.s32 @!p0 s1  }
0x70: {  	[bflag:$0x3] =	sbarrier.arrive $0xFFFF  }
0x71: {  	_ =	shalt  }

</sc_bundles>
